<compile_context>
chip_gen: v7x
topology: tpu7x:2x2x1
jax: 0.10.2.dev20260603
libtpu: 0.0.44.dev20260713+nightly
codegen_flags: <defaults>
</compile_context>

<pallas_src>
import functools

import jax
import jax.numpy as jnp
from jax import lax
from jax.experimental import pallas as pl
from jax.experimental.pallas import tpu as pltpu
from jax.experimental.pallas import tpu_sc as plsc

N = 10000
F = 128
BM = 400
NB = N // BM

LANES = 16
FLAT = N * N
NPAD = 10240
NW = 32
BPW = NPAD // NW
CHUNKS = BPW // LANES

_mesh = plsc.VectorSubcoreMesh(core_axis_name="c", subcore_axis_name="s")


@functools.partial(
    pl.kernel,
    mesh=_mesh,
    out_type=jax.ShapeDtypeStruct((NPAD,), jnp.float32),
    scratch_types=[
        pltpu.VMEM((BPW,), jnp.float32),
        pltpu.SemaphoreType.DMA,
    ],
)
def _sc_diag(adj1_hbm, d_hbm, d_v, sem):
    wid = lax.axis_index("s") * 2 + lax.axis_index("c")
    base = wid * BPW
    iota = lax.iota(jnp.int32, LANES)

    copies = []
    for c in range(CHUNKS):
        gi = base + c * LANES + iota
        flat = jnp.minimum(gi * (N + 1), FLAT - 1)
        copies.append(
            pltpu.async_copy(
                adj1_hbm.at[flat], d_v.at[pl.ds(c * LANES, LANES)], sem
            )
        )
    for cp in copies:
        cp.wait()

    pltpu.sync_copy(d_v, d_hbm.at[pl.ds(base, BPW)])


def _prep_kernel(x_ref, w_ref, sup16_ref):
    s = jnp.dot(x_ref[...], w_ref[...], preferred_element_type=jnp.float32)
    sup16_ref[...] = s.astype(jnp.bfloat16)


def _main_kernel(adj_ref, sup16_ref, d_ref, b_ref, out_ref, r_ref):
    i = pl.program_id(0)

    @pl.when(i == 0)
    def _():
        r_ref[...] = jnp.dot(
            d_ref[...], sup16_ref[...], preferred_element_type=jnp.float32
        )

    a16 = adj_ref[...].astype(jnp.bfloat16)
    y = jnp.dot(a16, sup16_ref[...], preferred_element_type=jnp.float32)
    out_ref[...] = y + r_ref[...] + b_ref[...]


@jax.jit
def kernel(input, adj, W, b):
    b2 = b.reshape(1, F)

    adj1 = adj.reshape(FLAT)
    d = _sc_diag(adj1)
    d16 = d[:N].astype(jnp.bfloat16).reshape(1, N)

    sup16 = pl.pallas_call(
        _prep_kernel,
        in_specs=[
            pl.BlockSpec((N, F), lambda: (0, 0)),
            pl.BlockSpec((F, F), lambda: (0, 0)),
        ],
        out_specs=pl.BlockSpec((N, F), lambda: (0, 0)),
        out_shape=jax.ShapeDtypeStruct((N, F), jnp.bfloat16),
    )(input, W)

    out = pl.pallas_call(
        _main_kernel,
        grid=(NB,),
        in_specs=[
            pl.BlockSpec((BM, N), lambda i: (i, 0)),
            pl.BlockSpec((N, F), lambda i: (0, 0)),
            pl.BlockSpec((1, N), lambda i: (0, 0)),
            pl.BlockSpec((1, F), lambda i: (0, 0)),
        ],
        out_specs=pl.BlockSpec((BM, F), lambda i: (i, 0)),
        out_shape=jax.ShapeDtypeStruct((N, F), jnp.float32),
        scratch_shapes=[pltpu.VMEM((1, F), jnp.float32)],
    )(adj, sup16, d16, b2)
    return out

# --- scband reference (transcript-rebuilt; emitter-appended) ---
"""Pipeline reference for scband-graph-convolution-17626545782876 (READ-ONLY COPY).

The authoritative reference and input builder live on the scoring server;
editing this copy changes nothing except your own understanding.
"""

import jax, jax.numpy as jnp
import numpy as np
import math

N = 10000
IN_F = 128
OUT_F = 128
DIAG_LAMBDA = 1.0


def setup_inputs(seed: int = 0) -> dict:
    key = jax.random.key(seed)
    k1, k2, k3 = jax.random.split(key, 3)
    x = jax.random.normal(k1, (N, IN_F), dtype=jnp.float32)
    adj = jax.random.uniform(k2, (N, N), dtype=jnp.float32)
    stdv = math.sqrt(6.0 / (IN_F + OUT_F))
    W = jax.random.uniform(k3, (IN_F, OUT_F), dtype=jnp.float32, minval=-stdv, maxval=stdv)
    b = jnp.zeros((OUT_F,), dtype=jnp.float32)
    return {"input": x, "adj": adj, "W": W, "b": b}


def reference(input, adj, W, b):
    # support = input @ weight
    support = jnp.dot(input, W)
    # A = diag_lambda * diag(adj) + adj
    # torch.diag(matrix) extracts the diagonal vector; adding [N] to [N, N]
    # broadcasts across rows, matching torch semantics exactly.
    A = DIAG_LAMBDA * jnp.diag(adj) + adj
    # output = spmm(A, support) == A @ support
    output = jnp.dot(A, support)
    return output + b

if __name__ == "__main__":
    import jax
    _d = setup_inputs()
    print(jax.jit(kernel)(*tuple(_d.values())))

</pallas_src>

<mosaic_0001>
#map = affine_map<(d0, d1) -> (0)>
module attributes {stable_mosaic.version = 14 : i64} {
  func.func @_sc_diag(%arg0: i32, %arg1: i32, %arg2: memref<100000000xf32, #tpu.memory_space<hbm>>, %arg3: memref<10240xf32, #tpu.memory_space<hbm>>, %arg4: memref<320xf32, #tpu.memory_space<vmem>>, %arg5: memref<!tpu.dma_semaphore, #tpu.memory_space<semaphore_mem>>) attributes {dimension_semantics = [#tpu.dimension_semantics<core_parallel>, #tpu.dimension_semantics<subcore_parallel>], iteration_bounds = array<i64: 2, 16>, scalar_prefetch = 0 : i64, scratch_operands = 2 : i64, tpu.core_type = #tpu.core_type<sc_vector_subcore>, window_params = [{transform_indices = #map}, {transform_indices = #map}]} {
    %mul3A = arith.constant 2 : i32
    %mul3A_0 = arith.muli %arg1, %mul3A : i32
    %add3A = arith.addi %mul3A_0, %arg0 : i32
    %mul3A_1 = arith.constant 320 : i32
    %mul3A_2 = arith.muli %add3A, %mul3A_1 : i32
    %iota3A = tpu.iota {dimensions = array<i32: 0>} : vector<16xi32>
    %add3A_3 = arith.constant 0 : i32
    %add3A_4 = arith.addi %mul3A_2, %add3A_3 : i32
    %add3A_5 = vector.broadcast %add3A_4 : i32 to vector<16xi32>
    %add3A_6 = arith.addi %add3A_5, %iota3A : vector<16xi32>
    %mul3A_7 = arith.constant 10001 : i32
    %mul3A_8 = vector.broadcast %mul3A_7 : i32 to vector<16xi32>
    %mul3A_9 = arith.muli %add3A_6, %mul3A_8 : vector<16xi32>
    %min3A = arith.constant 99999999 : i32
    %min3A_10 = vector.broadcast %min3A : i32 to vector<16xi32>
    %min3A_11 = arith.minsi %mul3A_9, %min3A_10 : vector<16xi32>
    %dma_start3A = arith.constant 0 : i32
    %dma_start3A_12 = tpu.memref_slice %arg4[%dma_start3A] : memref<320xf32, #tpu.memory_space<vmem>> -> memref<16xf32, #tpu.memory_space<vmem>>
    %dma_start3A_13 = arith.constant 0 : i32
    %dma_start3A_14 = tpu.memref_slice %arg2[%dma_start3A_13] : memref<100000000xf32, #tpu.memory_space<hbm>> -> memref<100000000xf32, #tpu.memory_space<hbm>>
    tpu.enqueue_indirect_dma source(%dma_start3A_14 : memref<100000000xf32, #tpu.memory_space<hbm>>) target(%dma_start3A_12 : memref<16xf32, #tpu.memory_space<vmem>>) offsets(%min3A_11 : vector<16xi32>) semaphore(%arg5 : memref<!tpu.dma_semaphore, #tpu.memory_space<semaphore_mem>>)
    %add3A_15 = arith.constant 16 : i32
    %add3A_16 = arith.addi %mul3A_2, %add3A_15 : i32
    %add3A_17 = vector.broadcast %add3A_16 : i32 to vector<16xi32>
    %add3A_18 = arith.addi %add3A_17, %iota3A : vector<16xi32>
    %mul3A_19 = arith.constant 10001 : i32
    %mul3A_20 = vector.broadcast %mul3A_19 : i32 to vector<16xi32>
    %mul3A_21 = arith.muli %add3A_18, %mul3A_20 : vector<16xi32>
    %min3A_22 = arith.constant 99999999 : i32
    %min3A_23 = vector.broadcast %min3A_22 : i32 to vector<16xi32>
    %min3A_24 = arith.minsi %mul3A_21, %min3A_23 : vector<16xi32>
    %dma_start3A_25 = arith.constant 16 : i32
    %dma_start3A_26 = tpu.memref_slice %arg4[%dma_start3A_25] : memref<320xf32, #tpu.memory_space<vmem>> -> memref<16xf32, #tpu.memory_space<vmem>>
    %dma_start3A_27 = arith.constant 0 : i32
    %dma_start3A_28 = tpu.memref_slice %arg2[%dma_start3A_27] : memref<100000000xf32, #tpu.memory_space<hbm>> -> memref<100000000xf32, #tpu.memory_space<hbm>>
    tpu.enqueue_indirect_dma source(%dma_start3A_28 : memref<100000000xf32, #tpu.memory_space<hbm>>) target(%dma_start3A_26 : memref<16xf32, #tpu.memory_space<vmem>>) offsets(%min3A_24 : vector<16xi32>) semaphore(%arg5 : memref<!tpu.dma_semaphore, #tpu.memory_space<semaphore_mem>>)
    %add3A_29 = arith.constant 32 : i32
    %add3A_30 = arith.addi %mul3A_2, %add3A_29 : i32
    %add3A_31 = vector.broadcast %add3A_30 : i32 to vector<16xi32>
    %add3A_32 = arith.addi %add3A_31, %iota3A : vector<16xi32>
    %mul3A_33 = arith.constant 10001 : i32
    %mul3A_34 = vector.broadcast %mul3A_33 : i32 to vector<16xi32>
    %mul3A_35 = arith.muli %add3A_32, %mul3A_34 : vector<16xi32>
    %min3A_36 = arith.constant 99999999 : i32
    %min3A_37 = vector.broadcast %min3A_36 : i32 to vector<16xi32>
    %min3A_38 = arith.minsi %mul3A_35, %min3A_37 : vector<16xi32>
    %dma_start3A_39 = arith.constant 32 : i32
    %dma_start3A_40 = tpu.memref_slice %arg4[%dma_start3A_39] : memref<320xf32, #tpu.memory_space<vmem>> -> memref<16xf32, #tpu.memory_space<vmem>>
    %dma_start3A_41 = arith.constant 0 : i32
    %dma_start3A_42 = tpu.memref_slice %arg2[%dma_start3A_41] : memref<100000000xf32, #tpu.memory_space<hbm>> -> memref<100000000xf32, #tpu.memory_space<hbm>>
    tpu.enqueue_indirect_dma source(%dma_start3A_42 : memref<100000000xf32, #tpu.memory_space<hbm>>) target(%dma_start3A_40 : memref<16xf32, #tpu.memory_space<vmem>>) offsets(%min3A_38 : vector<16xi32>) semaphore(%arg5 : memref<!tpu.dma_semaphore, #tpu.memory_space<semaphore_mem>>)
    %add3A_43 = arith.constant 48 : i32
    %add3A_44 = arith.addi %mul3A_2, %add3A_43 : i32
    %add3A_45 = vector.broadcast %add3A_44 : i32 to vector<16xi32>
    %add3A_46 = arith.addi %add3A_45, %iota3A : vector<16xi32>
    %mul3A_47 = arith.constant 10001 : i32
    %mul3A_48 = vector.broadcast %mul3A_47 : i32 to vector<16xi32>
    %mul3A_49 = arith.muli %add3A_46, %mul3A_48 : vector<16xi32>
    %min3A_50 = arith.constant 99999999 : i32
    %min3A_51 = vector.broadcast %min3A_50 : i32 to vector<16xi32>
    %min3A_52 = arith.minsi %mul3A_49, %min3A_51 : vector<16xi32>
    %dma_start3A_53 = arith.constant 48 : i32
    %dma_start3A_54 = tpu.memref_slice %arg4[%dma_start3A_53] : memref<320xf32, #tpu.memory_space<vmem>> -> memref<16xf32, #tpu.memory_space<vmem>>
    %dma_start3A_55 = arith.constant 0 : i32
    %dma_start3A_56 = tpu.memref_slice %arg2[%dma_start3A_55] : memref<100000000xf32, #tpu.memory_space<hbm>> -> memref<100000000xf32, #tpu.memory_space<hbm>>
    tpu.enqueue_indirect_dma source(%dma_start3A_56 : memref<100000000xf32, #tpu.memory_space<hbm>>) target(%dma_start3A_54 : memref<16xf32, #tpu.memory_space<vmem>>) offsets(%min3A_52 : vector<16xi32>) semaphore(%arg5 : memref<!tpu.dma_semaphore, #tpu.memory_space<semaphore_mem>>)
    %add3A_57 = arith.constant 64 : i32
    %add3A_58 = arith.addi %mul3A_2, %add3A_57 : i32
    %add3A_59 = vector.broadcast %add3A_58 : i32 to vector<16xi32>
    %add3A_60 = arith.addi %add3A_59, %iota3A : vector<16xi32>
    %mul3A_61 = arith.constant 10001 : i32
    %mul3A_62 = vector.broadcast %mul3A_61 : i32 to vector<16xi32>
    %mul3A_63 = arith.muli %add3A_60, %mul3A_62 : vector<16xi32>
    %min3A_64 = arith.constant 99999999 : i32
    %min3A_65 = vector.broadcast %min3A_64 : i32 to vector<16xi32>
    %min3A_66 = arith.minsi %mul3A_63, %min3A_65 : vector<16xi32>
    %dma_start3A_67 = arith.constant 64 : i32
    %dma_start3A_68 = tpu.memref_slice %arg4[%dma_start3A_67] : memref<320xf32, #tpu.memory_space<vmem>> -> memref<16xf32, #tpu.memory_space<vmem>>
    %dma_start3A_69 = arith.constant 0 : i32
    %dma_start3A_70 = tpu.memref_slice %arg2[%dma_start3A_69] : memref<100000000xf32, #tpu.memory_space<hbm>> -> memref<100000000xf32, #tpu.memory_space<hbm>>
    tpu.enqueue_indirect_dma source(%dma_start3A_70 : memref<100000000xf32, #tpu.memory_space<hbm>>) target(%dma_start3A_68 : memref<16xf32, #tpu.memory_space<vmem>>) offsets(%min3A_66 : vector<16xi32>) semaphore(%arg5 : memref<!tpu.dma_semaphore, #tpu.memory_space<semaphore_mem>>)
    %add3A_71 = arith.constant 80 : i32
    %add3A_72 = arith.addi %mul3A_2, %add3A_71 : i32
    %add3A_73 = vector.broadcast %add3A_72 : i32 to vector<16xi32>
    %add3A_74 = arith.addi %add3A_73, %iota3A : vector<16xi32>
    %mul3A_75 = arith.constant 10001 : i32
    %mul3A_76 = vector.broadcast %mul3A_75 : i32 to vector<16xi32>
    %mul3A_77 = arith.muli %add3A_74, %mul3A_76 : vector<16xi32>
    %min3A_78 = arith.constant 99999999 : i32
    %min3A_79 = vector.broadcast %min3A_78 : i32 to vector<16xi32>
    %min3A_80 = arith.minsi %mul3A_77, %min3A_79 : vector<16xi32>
    %dma_start3A_81 = arith.constant 80 : i32
    %dma_start3A_82 = tpu.memref_slice %arg4[%dma_start3A_81] : memref<320xf32, #tpu.memory_space<vmem>> -> memref<16xf32, #tpu.memory_space<vmem>>
    %dma_start3A_83 = arith.constant 0 : i32
    %dma_start3A_84 = tpu.memref_slice %arg2[%dma_start3A_83] : memref<100000000xf32, #tpu.memory_space<hbm>> -> memref<100000000xf32, #tpu.memory_space<hbm>>
    tpu.enqueue_indirect_dma source(%dma_start3A_84 : memref<100000000xf32, #tpu.memory_space<hbm>>) target(%dma_start3A_82 : memref<16xf32, #tpu.memory_space<vmem>>) offsets(%min3A_80 : vector<16xi32>) semaphore(%arg5 : memref<!tpu.dma_semaphore, #tpu.memory_space<semaphore_mem>>)
    %add3A_85 = arith.constant 96 : i32
    %add3A_86 = arith.addi %mul3A_2, %add3A_85 : i32
    %add3A_87 = vector.broadcast %add3A_86 : i32 to vector<16xi32>
    %add3A_88 = arith.addi %add3A_87, %iota3A : vector<16xi32>
    %mul3A_89 = arith.constant 10001 : i32
    %mul3A_90 = vector.broadcast %mul3A_89 : i32 to vector<16xi32>
    %mul3A_91 = arith.muli %add3A_88, %mul3A_90 : vector<16xi32>
    %min3A_92 = arith.constant 99999999 : i32
    %min3A_93 = vector.broadcast %min3A_92 : i32 to vector<16xi32>
    %min3A_94 = arith.minsi %mul3A_91, %min3A_93 : vector<16xi32>
    %dma_start3A_95 = arith.constant 96 : i32
    %dma_start3A_96 = tpu.memref_slice %arg4[%dma_start3A_95] : memref<320xf32, #tpu.memory_space<vmem>> -> memref<16xf32, #tpu.memory_space<vmem>>
    %dma_start3A_97 = arith.constant 0 : i32
    %dma_start3A_98 = tpu.memref_slice %arg2[%dma_start3A_97] : memref<100000000xf32, #tpu.memory_space<hbm>> -> memref<100000000xf32, #tpu.memory_space<hbm>>
    tpu.enqueue_indirect_dma source(%dma_start3A_98 : memref<100000000xf32, #tpu.memory_space<hbm>>) target(%dma_start3A_96 : memref<16xf32, #tpu.memory_space<vmem>>) offsets(%min3A_94 : vector<16xi32>) semaphore(%arg5 : memref<!tpu.dma_semaphore, #tpu.memory_space<semaphore_mem>>)
    %add3A_99 = arith.constant 112 : i32
    %add3A_100 = arith.addi %mul3A_2, %add3A_99 : i32
    %add3A_101 = vector.broadcast %add3A_100 : i32 to vector<16xi32>
    %add3A_102 = arith.addi %add3A_101, %iota3A : vector<16xi32>
    %mul3A_103 = arith.constant 10001 : i32
    %mul3A_104 = vector.broadcast %mul3A_103 : i32 to vector<16xi32>
    %mul3A_105 = arith.muli %add3A_102, %mul3A_104 : vector<16xi32>
    %min3A_106 = arith.constant 99999999 : i32
    %min3A_107 = vector.broadcast %min3A_106 : i32 to vector<16xi32>
    %min3A_108 = arith.minsi %mul3A_105, %min3A_107 : vector<16xi32>
    %dma_start3A_109 = arith.constant 112 : i32
    %dma_start3A_110 = tpu.memref_slice %arg4[%dma_start3A_109] : memref<320xf32, #tpu.memory_space<vmem>> -> memref<16xf32, #tpu.memory_space<vmem>>
    %dma_start3A_111 = arith.constant 0 : i32
    %dma_start3A_112 = tpu.memref_slice %arg2[%dma_start3A_111] : memref<100000000xf32, #tpu.memory_space<hbm>> -> memref<100000000xf32, #tpu.memory_space<hbm>>
    tpu.enqueue_indirect_dma source(%dma_start3A_112 : memref<100000000xf32, #tpu.memory_space<hbm>>) target(%dma_start3A_110 : memref<16xf32, #tpu.memory_space<vmem>>) offsets(%min3A_108 : vector<16xi32>) semaphore(%arg5 : memref<!tpu.dma_semaphore, #tpu.memory_space<semaphore_mem>>)
    %add3A_113 = arith.constant 128 : i32
    %add3A_114 = arith.addi %mul3A_2, %add3A_113 : i32
    %add3A_115 = vector.broadcast %add3A_114 : i32 to vector<16xi32>
    %add3A_116 = arith.addi %add3A_115, %iota3A : vector<16xi32>
    %mul3A_117 = arith.constant 10001 : i32
    %mul3A_118 = vector.broadcast %mul3A_117 : i32 to vector<16xi32>
    %mul3A_119 = arith.muli %add3A_116, %mul3A_118 : vector<16xi32>
    %min3A_120 = arith.constant 99999999 : i32
    %min3A_121 = vector.broadcast %min3A_120 : i32 to vector<16xi32>
    %min3A_122 = arith.minsi %mul3A_119, %min3A_121 : vector<16xi32>
    %dma_start3A_123 = arith.constant 128 : i32
    %dma_start3A_124 = tpu.memref_slice %arg4[%dma_start3A_123] : memref<320xf32, #tpu.memory_space<vmem>> -> memref<16xf32, #tpu.memory_space<vmem>>
    %dma_start3A_125 = arith.constant 0 : i32
    %dma_start3A_126 = tpu.memref_slice %arg2[%dma_start3A_125] : memref<100000000xf32, #tpu.memory_space<hbm>> -> memref<100000000xf32, #tpu.memory_space<hbm>>
    tpu.enqueue_indirect_dma source(%dma_start3A_126 : memref<100000000xf32, #tpu.memory_space<hbm>>) target(%dma_start3A_124 : memref<16xf32, #tpu.memory_space<vmem>>) offsets(%min3A_122 : vector<16xi32>) semaphore(%arg5 : memref<!tpu.dma_semaphore, #tpu.memory_space<semaphore_mem>>)
    %add3A_127 = arith.constant 144 : i32
    %add3A_128 = arith.addi %mul3A_2, %add3A_127 : i32
    %add3A_129 = vector.broadcast %add3A_128 : i32 to vector<16xi32>
    %add3A_130 = arith.addi %add3A_129, %iota3A : vector<16xi32>
    %mul3A_131 = arith.constant 10001 : i32
    %mul3A_132 = vector.broadcast %mul3A_131 : i32 to vector<16xi32>
    %mul3A_133 = arith.muli %add3A_130, %mul3A_132 : vector<16xi32>
    %min3A_134 = arith.constant 99999999 : i32
    %min3A_135 = vector.broadcast %min3A_134 : i32 to vector<16xi32>
    %min3A_136 = arith.minsi %mul3A_133, %min3A_135 : vector<16xi32>
    %dma_start3A_137 = arith.constant 144 : i32
    %dma_start3A_138 = tpu.memref_slice %arg4[%dma_start3A_137] : memref<320xf32, #tpu.memory_space<vmem>> -> memref<16xf32, #tpu.memory_space<vmem>>
    %dma_start3A_139 = arith.constant 0 : i32
    %dma_start3A_140 = tpu.memref_slice %arg2[%dma_start3A_139] : memref<100000000xf32, #tpu.memory_space<hbm>> -> memref<100000000xf32, #tpu.memory_space<hbm>>
    tpu.enqueue_indirect_dma source(%dma_start3A_140 : memref<100000000xf32, #tpu.memory_space<hbm>>) target(%dma_start3A_138 : memref<16xf32, #tpu.memory_space<vmem>>) offsets(%min3A_136 : vector<16xi32>) semaphore(%arg5 : memref<!tpu.dma_semaphore, #tpu.memory_space<semaphore_mem>>)
    %add3A_141 = arith.constant 160 : i32
    %add3A_142 = arith.addi %mul3A_2, %add3A_141 : i32
    %add3A_143 = vector.broadcast %add3A_142 : i32 to vector<16xi32>
    %add3A_144 = arith.addi %add3A_143, %iota3A : vector<16xi32>
    %mul3A_145 = arith.constant 10001 : i32
    %mul3A_146 = vector.broadcast %mul3A_145 : i32 to vector<16xi32>
    %mul3A_147 = arith.muli %add3A_144, %mul3A_146 : vector<16xi32>
    %min3A_148 = arith.constant 99999999 : i32
    %min3A_149 = vector.broadcast %min3A_148 : i32 to vector<16xi32>
    %min3A_150 = arith.minsi %mul3A_147, %min3A_149 : vector<16xi32>
    %dma_start3A_151 = arith.constant 160 : i32
    %dma_start3A_152 = tpu.memref_slice %arg4[%dma_start3A_151] : memref<320xf32, #tpu.memory_space<vmem>> -> memref<16xf32, #tpu.memory_space<vmem>>
    %dma_start3A_153 = arith.constant 0 : i32
    %dma_start3A_154 = tpu.memref_slice %arg2[%dma_start3A_153] : memref<100000000xf32, #tpu.memory_space<hbm>> -> memref<100000000xf32, #tpu.memory_space<hbm>>
    tpu.enqueue_indirect_dma source(%dma_start3A_154 : memref<100000000xf32, #tpu.memory_space<hbm>>) target(%dma_start3A_152 : memref<16xf32, #tpu.memory_space<vmem>>) offsets(%min3A_150 : vector<16xi32>) semaphore(%arg5 : memref<!tpu.dma_semaphore, #tpu.memory_space<semaphore_mem>>)
    %add3A_155 = arith.constant 176 : i32
    %add3A_156 = arith.addi %mul3A_2, %add3A_155 : i32
    %add3A_157 = vector.broadcast %add3A_156 : i32 to vector<16xi32>
    %add3A_158 = arith.addi %add3A_157, %iota3A : vector<16xi32>
    %mul3A_159 = arith.constant 10001 : i32
    %mul3A_160 = vector.broadcast %mul3A_159 : i32 to vector<16xi32>
    %mul3A_161 = arith.muli %add3A_158, %mul3A_160 : vector<16xi32>
    %min3A_162 = arith.constant 99999999 : i32
    %min3A_163 = vector.broadcast %min3A_162 : i32 to vector<16xi32>
    %min3A_164 = arith.minsi %mul3A_161, %min3A_163 : vector<16xi32>
    %dma_start3A_165 = arith.constant 176 : i32
    %dma_start3A_166 = tpu.memref_slice %arg4[%dma_start3A_165] : memref<320xf32, #tpu.memory_space<vmem>> -> memref<16xf32, #tpu.memory_space<vmem>>
    %dma_start3A_167 = arith.constant 0 : i32
    %dma_start3A_168 = tpu.memref_slice %arg2[%dma_start3A_167] : memref<100000000xf32, #tpu.memory_space<hbm>> -> memref<100000000xf32, #tpu.memory_space<hbm>>
    tpu.enqueue_indirect_dma source(%dma_start3A_168 : memref<100000000xf32, #tpu.memory_space<hbm>>) target(%dma_start3A_166 : memref<16xf32, #tpu.memory_space<vmem>>) offsets(%min3A_164 : vector<16xi32>) semaphore(%arg5 : memref<!tpu.dma_semaphore, #tpu.memory_space<semaphore_mem>>)
    %add3A_169 = arith.constant 192 : i32
    %add3A_170 = arith.addi %mul3A_2, %add3A_169 : i32
    %add3A_171 = vector.broadcast %add3A_170 : i32 to vector<16xi32>
    %add3A_172 = arith.addi %add3A_171, %iota3A : vector<16xi32>
    %mul3A_173 = arith.constant 10001 : i32
    %mul3A_174 = vector.broadcast %mul3A_173 : i32 to vector<16xi32>
    %mul3A_175 = arith.muli %add3A_172, %mul3A_174 : vector<16xi32>
    %min3A_176 = arith.constant 99999999 : i32
    %min3A_177 = vector.broadcast %min3A_176 : i32 to vector<16xi32>
    %min3A_178 = arith.minsi %mul3A_175, %min3A_177 : vector<16xi32>
    %dma_start3A_179 = arith.constant 192 : i32
    %dma_start3A_180 = tpu.memref_slice %arg4[%dma_start3A_179] : memref<320xf32, #tpu.memory_space<vmem>> -> memref<16xf32, #tpu.memory_space<vmem>>
    %dma_start3A_181 = arith.constant 0 : i32
    %dma_start3A_182 = tpu.memref_slice %arg2[%dma_start3A_181] : memref<100000000xf32, #tpu.memory_space<hbm>> -> memref<100000000xf32, #tpu.memory_space<hbm>>
    tpu.enqueue_indirect_dma source(%dma_start3A_182 : memref<100000000xf32, #tpu.memory_space<hbm>>) target(%dma_start3A_180 : memref<16xf32, #tpu.memory_space<vmem>>) offsets(%min3A_178 : vector<16xi32>) semaphore(%arg5 : memref<!tpu.dma_semaphore, #tpu.memory_space<semaphore_mem>>)
    %add3A_183 = arith.constant 208 : i32
    %add3A_184 = arith.addi %mul3A_2, %add3A_183 : i32
    %add3A_185 = vector.broadcast %add3A_184 : i32 to vector<16xi32>
    %add3A_186 = arith.addi %add3A_185, %iota3A : vector<16xi32>
    %mul3A_187 = arith.constant 10001 : i32
    %mul3A_188 = vector.broadcast %mul3A_187 : i32 to vector<16xi32>
    %mul3A_189 = arith.muli %add3A_186, %mul3A_188 : vector<16xi32>
    %min3A_190 = arith.constant 99999999 : i32
    %min3A_191 = vector.broadcast %min3A_190 : i32 to vector<16xi32>
    %min3A_192 = arith.minsi %mul3A_189, %min3A_191 : vector<16xi32>
    %dma_start3A_193 = arith.constant 208 : i32
    %dma_start3A_194 = tpu.memref_slice %arg4[%dma_start3A_193] : memref<320xf32, #tpu.memory_space<vmem>> -> memref<16xf32, #tpu.memory_space<vmem>>
    %dma_start3A_195 = arith.constant 0 : i32
    %dma_start3A_196 = tpu.memref_slice %arg2[%dma_start3A_195] : memref<100000000xf32, #tpu.memory_space<hbm>> -> memref<100000000xf32, #tpu.memory_space<hbm>>
    tpu.enqueue_indirect_dma source(%dma_start3A_196 : memref<100000000xf32, #tpu.memory_space<hbm>>) target(%dma_start3A_194 : memref<16xf32, #tpu.memory_space<vmem>>) offsets(%min3A_192 : vector<16xi32>) semaphore(%arg5 : memref<!tpu.dma_semaphore, #tpu.memory_space<semaphore_mem>>)
    %add3A_197 = arith.constant 224 : i32
    %add3A_198 = arith.addi %mul3A_2, %add3A_197 : i32
    %add3A_199 = vector.broadcast %add3A_198 : i32 to vector<16xi32>
    %add3A_200 = arith.addi %add3A_199, %iota3A : vector<16xi32>
    %mul3A_201 = arith.constant 10001 : i32
    %mul3A_202 = vector.broadcast %mul3A_201 : i32 to vector<16xi32>
    %mul3A_203 = arith.muli %add3A_200, %mul3A_202 : vector<16xi32>
    %min3A_204 = arith.constant 99999999 : i32
    %min3A_205 = vector.broadcast %min3A_204 : i32 to vector<16xi32>
    %min3A_206 = arith.minsi %mul3A_203, %min3A_205 : vector<16xi32>
    %dma_start3A_207 = arith.constant 224 : i32
    %dma_start3A_208 = tpu.memref_slice %arg4[%dma_start3A_207] : memref<320xf32, #tpu.memory_space<vmem>> -> memref<16xf32, #tpu.memory_space<vmem>>
    %dma_start3A_209 = arith.constant 0 : i32
    %dma_start3A_210 = tpu.memref_slice %arg2[%dma_start3A_209] : memref<100000000xf32, #tpu.memory_space<hbm>> -> memref<100000000xf32, #tpu.memory_space<hbm>>
    tpu.enqueue_indirect_dma source(%dma_start3A_210 : memref<100000000xf32, #tpu.memory_space<hbm>>) target(%dma_start3A_208 : memref<16xf32, #tpu.memory_space<vmem>>) offsets(%min3A_206 : vector<16xi32>) semaphore(%arg5 : memref<!tpu.dma_semaphore, #tpu.memory_space<semaphore_mem>>)
    %add3A_211 = arith.constant 240 : i32
    %add3A_212 = arith.addi %mul3A_2, %add3A_211 : i32
    %add3A_213 = vector.broadcast %add3A_212 : i32 to vector<16xi32>
    %add3A_214 = arith.addi %add3A_213, %iota3A : vector<16xi32>
    %mul3A_215 = arith.constant 10001 : i32
    %mul3A_216 = vector.broadcast %mul3A_215 : i32 to vector<16xi32>
    %mul3A_217 = arith.muli %add3A_214, %mul3A_216 : vector<16xi32>
    %min3A_218 = arith.constant 99999999 : i32
    %min3A_219 = vector.broadcast %min3A_218 : i32 to vector<16xi32>
    %min3A_220 = arith.minsi %mul3A_217, %min3A_219 : vector<16xi32>
    %dma_start3A_221 = arith.constant 240 : i32
    %dma_start3A_222 = tpu.memref_slice %arg4[%dma_start3A_221] : memref<320xf32, #tpu.memory_space<vmem>> -> memref<16xf32, #tpu.memory_space<vmem>>
    %dma_start3A_223 = arith.constant 0 : i32
    %dma_start3A_224 = tpu.memref_slice %arg2[%dma_start3A_223] : memref<100000000xf32, #tpu.memory_space<hbm>> -> memref<100000000xf32, #tpu.memory_space<hbm>>
    tpu.enqueue_indirect_dma source(%dma_start3A_224 : memref<100000000xf32, #tpu.memory_space<hbm>>) target(%dma_start3A_222 : memref<16xf32, #tpu.memory_space<vmem>>) offsets(%min3A_220 : vector<16xi32>) semaphore(%arg5 : memref<!tpu.dma_semaphore, #tpu.memory_space<semaphore_mem>>)
    %add3A_225 = arith.constant 256 : i32
    %add3A_226 = arith.addi %mul3A_2, %add3A_225 : i32
    %add3A_227 = vector.broadcast %add3A_226 : i32 to vector<16xi32>
    %add3A_228 = arith.addi %add3A_227, %iota3A : vector<16xi32>
    %mul3A_229 = arith.constant 10001 : i32
    %mul3A_230 = vector.broadcast %mul3A_229 : i32 to vector<16xi32>
    %mul3A_231 = arith.muli %add3A_228, %mul3A_230 : vector<16xi32>
    %min3A_232 = arith.constant 99999999 : i32
    %min3A_233 = vector.broadcast %min3A_232 : i32 to vector<16xi32>
    %min3A_234 = arith.minsi %mul3A_231, %min3A_233 : vector<16xi32>
    %dma_start3A_235 = arith.constant 256 : i32
    %dma_start3A_236 = tpu.memref_slice %arg4[%dma_start3A_235] : memref<320xf32, #tpu.memory_space<vmem>> -> memref<16xf32, #tpu.memory_space<vmem>>
    %dma_start3A_237 = arith.constant 0 : i32
    %dma_start3A_238 = tpu.memref_slice %arg2[%dma_start3A_237] : memref<100000000xf32, #tpu.memory_space<hbm>> -> memref<100000000xf32, #tpu.memory_space<hbm>>
    tpu.enqueue_indirect_dma source(%dma_start3A_238 : memref<100000000xf32, #tpu.memory_space<hbm>>) target(%dma_start3A_236 : memref<16xf32, #tpu.memory_space<vmem>>) offsets(%min3A_234 : vector<16xi32>) semaphore(%arg5 : memref<!tpu.dma_semaphore, #tpu.memory_space<semaphore_mem>>)
    %add3A_239 = arith.constant 272 : i32
    %add3A_240 = arith.addi %mul3A_2, %add3A_239 : i32
    %add3A_241 = vector.broadcast %add3A_240 : i32 to vector<16xi32>
    %add3A_242 = arith.addi %add3A_241, %iota3A : vector<16xi32>
    %mul3A_243 = arith.constant 10001 : i32
    %mul3A_244 = vector.broadcast %mul3A_243 : i32 to vector<16xi32>
    %mul3A_245 = arith.muli %add3A_242, %mul3A_244 : vector<16xi32>
    %min3A_246 = arith.constant 99999999 : i32
    %min3A_247 = vector.broadcast %min3A_246 : i32 to vector<16xi32>
    %min3A_248 = arith.minsi %mul3A_245, %min3A_247 : vector<16xi32>
    %dma_start3A_249 = arith.constant 272 : i32
    %dma_start3A_250 = tpu.memref_slice %arg4[%dma_start3A_249] : memref<320xf32, #tpu.memory_space<vmem>> -> memref<16xf32, #tpu.memory_space<vmem>>
    %dma_start3A_251 = arith.constant 0 : i32
    %dma_start3A_252 = tpu.memref_slice %arg2[%dma_start3A_251] : memref<100000000xf32, #tpu.memory_space<hbm>> -> memref<100000000xf32, #tpu.memory_space<hbm>>
    tpu.enqueue_indirect_dma source(%dma_start3A_252 : memref<100000000xf32, #tpu.memory_space<hbm>>) target(%dma_start3A_250 : memref<16xf32, #tpu.memory_space<vmem>>) offsets(%min3A_248 : vector<16xi32>) semaphore(%arg5 : memref<!tpu.dma_semaphore, #tpu.memory_space<semaphore_mem>>)
    %add3A_253 = arith.constant 288 : i32
    %add3A_254 = arith.addi %mul3A_2, %add3A_253 : i32
    %add3A_255 = vector.broadcast %add3A_254 : i32 to vector<16xi32>
    %add3A_256 = arith.addi %add3A_255, %iota3A : vector<16xi32>
    %mul3A_257 = arith.constant 10001 : i32
    %mul3A_258 = vector.broadcast %mul3A_257 : i32 to vector<16xi32>
    %mul3A_259 = arith.muli %add3A_256, %mul3A_258 : vector<16xi32>
    %min3A_260 = arith.constant 99999999 : i32
    %min3A_261 = vector.broadcast %min3A_260 : i32 to vector<16xi32>
    %min3A_262 = arith.minsi %mul3A_259, %min3A_261 : vector<16xi32>
    %dma_start3A_263 = arith.constant 288 : i32
    %dma_start3A_264 = tpu.memref_slice %arg4[%dma_start3A_263] : memref<320xf32, #tpu.memory_space<vmem>> -> memref<16xf32, #tpu.memory_space<vmem>>
    %dma_start3A_265 = arith.constant 0 : i32
    %dma_start3A_266 = tpu.memref_slice %arg2[%dma_start3A_265] : memref<100000000xf32, #tpu.memory_space<hbm>> -> memref<100000000xf32, #tpu.memory_space<hbm>>
    tpu.enqueue_indirect_dma source(%dma_start3A_266 : memref<100000000xf32, #tpu.memory_space<hbm>>) target(%dma_start3A_264 : memref<16xf32, #tpu.memory_space<vmem>>) offsets(%min3A_262 : vector<16xi32>) semaphore(%arg5 : memref<!tpu.dma_semaphore, #tpu.memory_space<semaphore_mem>>)
    %add3A_267 = arith.constant 304 : i32
    %add3A_268 = arith.addi %mul3A_2, %add3A_267 : i32
    %add3A_269 = vector.broadcast %add3A_268 : i32 to vector<16xi32>
    %add3A_270 = arith.addi %add3A_269, %iota3A : vector<16xi32>
    %mul3A_271 = arith.constant 10001 : i32
    %mul3A_272 = vector.broadcast %mul3A_271 : i32 to vector<16xi32>
    %mul3A_273 = arith.muli %add3A_270, %mul3A_272 : vector<16xi32>
    %min3A_274 = arith.constant 99999999 : i32
    %min3A_275 = vector.broadcast %min3A_274 : i32 to vector<16xi32>
    %min3A_276 = arith.minsi %mul3A_273, %min3A_275 : vector<16xi32>
    %dma_start3A_277 = arith.constant 304 : i32
    %dma_start3A_278 = tpu.memref_slice %arg4[%dma_start3A_277] : memref<320xf32, #tpu.memory_space<vmem>> -> memref<16xf32, #tpu.memory_space<vmem>>
    %dma_start3A_279 = arith.constant 0 : i32
    %dma_start3A_280 = tpu.memref_slice %arg2[%dma_start3A_279] : memref<100000000xf32, #tpu.memory_space<hbm>> -> memref<100000000xf32, #tpu.memory_space<hbm>>
    tpu.enqueue_indirect_dma source(%dma_start3A_280 : memref<100000000xf32, #tpu.memory_space<hbm>>) target(%dma_start3A_278 : memref<16xf32, #tpu.memory_space<vmem>>) offsets(%min3A_276 : vector<16xi32>) semaphore(%arg5 : memref<!tpu.dma_semaphore, #tpu.memory_space<semaphore_mem>>)
    %dma_wait3A = arith.constant 0 : i32
    %dma_wait3A_281 = tpu.memref_slice %arg4[%dma_wait3A] : memref<320xf32, #tpu.memory_space<vmem>> -> memref<16xf32, #tpu.memory_space<vmem>>
    %dma_wait3A_282 = arith.constant 0 : i32
    %dma_wait3A_283 = tpu.memref_slice %arg2[%dma_wait3A_282] : memref<100000000xf32, #tpu.memory_space<hbm>> -> memref<100000000xf32, #tpu.memory_space<hbm>>
    tpu.wait_indirect_dma semaphore(%arg5 : memref<!tpu.dma_semaphore, #tpu.memory_space<semaphore_mem>>) src(%dma_wait3A_283 : memref<100000000xf32, #tpu.memory_space<hbm>>) dst(%dma_wait3A_281 : memref<16xf32, #tpu.memory_space<vmem>>)
    %dma_wait3A_284 = arith.constant 16 : i32
    %dma_wait3A_285 = tpu.memref_slice %arg4[%dma_wait3A_284] : memref<320xf32, #tpu.memory_space<vmem>> -> memref<16xf32, #tpu.memory_space<vmem>>
    %dma_wait3A_286 = arith.constant 0 : i32
    %dma_wait3A_287 = tpu.memref_slice %arg2[%dma_wait3A_286] : memref<100000000xf32, #tpu.memory_space<hbm>> -> memref<100000000xf32, #tpu.memory_space<hbm>>
    tpu.wait_indirect_dma semaphore(%arg5 : memref<!tpu.dma_semaphore, #tpu.memory_space<semaphore_mem>>) src(%dma_wait3A_287 : memref<100000000xf32, #tpu.memory_space<hbm>>) dst(%dma_wait3A_285 : memref<16xf32, #tpu.memory_space<vmem>>)
    %dma_wait3A_288 = arith.constant 32 : i32
    %dma_wait3A_289 = tpu.memref_slice %arg4[%dma_wait3A_288] : memref<320xf32, #tpu.memory_space<vmem>> -> memref<16xf32, #tpu.memory_space<vmem>>
    %dma_wait3A_290 = arith.constant 0 : i32
    %dma_wait3A_291 = tpu.memref_slice %arg2[%dma_wait3A_290] : memref<100000000xf32, #tpu.memory_space<hbm>> -> memref<100000000xf32, #tpu.memory_space<hbm>>
    tpu.wait_indirect_dma semaphore(%arg5 : memref<!tpu.dma_semaphore, #tpu.memory_space<semaphore_mem>>) src(%dma_wait3A_291 : memref<100000000xf32, #tpu.memory_space<hbm>>) dst(%dma_wait3A_289 : memref<16xf32, #tpu.memory_space<vmem>>)
    %dma_wait3A_292 = arith.constant 48 : i32
    %dma_wait3A_293 = tpu.memref_slice %arg4[%dma_wait3A_292] : memref<320xf32, #tpu.memory_space<vmem>> -> memref<16xf32, #tpu.memory_space<vmem>>
    %dma_wait3A_294 = arith.constant 0 : i32
    %dma_wait3A_295 = tpu.memref_slice %arg2[%dma_wait3A_294] : memref<100000000xf32, #tpu.memory_space<hbm>> -> memref<100000000xf32, #tpu.memory_space<hbm>>
    tpu.wait_indirect_dma semaphore(%arg5 : memref<!tpu.dma_semaphore, #tpu.memory_space<semaphore_mem>>) src(%dma_wait3A_295 : memref<100000000xf32, #tpu.memory_space<hbm>>) dst(%dma_wait3A_293 : memref<16xf32, #tpu.memory_space<vmem>>)
    %dma_wait3A_296 = arith.constant 64 : i32
    %dma_wait3A_297 = tpu.memref_slice %arg4[%dma_wait3A_296] : memref<320xf32, #tpu.memory_space<vmem>> -> memref<16xf32, #tpu.memory_space<vmem>>
    %dma_wait3A_298 = arith.constant 0 : i32
    %dma_wait3A_299 = tpu.memref_slice %arg2[%dma_wait3A_298] : memref<100000000xf32, #tpu.memory_space<hbm>> -> memref<100000000xf32, #tpu.memory_space<hbm>>
    tpu.wait_indirect_dma semaphore(%arg5 : memref<!tpu.dma_semaphore, #tpu.memory_space<semaphore_mem>>) src(%dma_wait3A_299 : memref<100000000xf32, #tpu.memory_space<hbm>>) dst(%dma_wait3A_297 : memref<16xf32, #tpu.memory_space<vmem>>)
    %dma_wait3A_300 = arith.constant 80 : i32
    %dma_wait3A_301 = tpu.memref_slice %arg4[%dma_wait3A_300] : memref<320xf32, #tpu.memory_space<vmem>> -> memref<16xf32, #tpu.memory_space<vmem>>
    %dma_wait3A_302 = arith.constant 0 : i32
    %dma_wait3A_303 = tpu.memref_slice %arg2[%dma_wait3A_302] : memref<100000000xf32, #tpu.memory_space<hbm>> -> memref<100000000xf32, #tpu.memory_space<hbm>>
    tpu.wait_indirect_dma semaphore(%arg5 : memref<!tpu.dma_semaphore, #tpu.memory_space<semaphore_mem>>) src(%dma_wait3A_303 : memref<100000000xf32, #tpu.memory_space<hbm>>) dst(%dma_wait3A_301 : memref<16xf32, #tpu.memory_space<vmem>>)
    %dma_wait3A_304 = arith.constant 96 : i32
    %dma_wait3A_305 = tpu.memref_slice %arg4[%dma_wait3A_304] : memref<320xf32, #tpu.memory_space<vmem>> -> memref<16xf32, #tpu.memory_space<vmem>>
    %dma_wait3A_306 = arith.constant 0 : i32
    %dma_wait3A_307 = tpu.memref_slice %arg2[%dma_wait3A_306] : memref<100000000xf32, #tpu.memory_space<hbm>> -> memref<100000000xf32, #tpu.memory_space<hbm>>
    tpu.wait_indirect_dma semaphore(%arg5 : memref<!tpu.dma_semaphore, #tpu.memory_space<semaphore_mem>>) src(%dma_wait3A_307 : memref<100000000xf32, #tpu.memory_space<hbm>>) dst(%dma_wait3A_305 : memref<16xf32, #tpu.memory_space<vmem>>)
    %dma_wait3A_308 = arith.constant 112 : i32
    %dma_wait3A_309 = tpu.memref_slice %arg4[%dma_wait3A_308] : memref<320xf32, #tpu.memory_space<vmem>> -> memref<16xf32, #tpu.memory_space<vmem>>
    %dma_wait3A_310 = arith.constant 0 : i32
    %dma_wait3A_311 = tpu.memref_slice %arg2[%dma_wait3A_310] : memref<100000000xf32, #tpu.memory_space<hbm>> -> memref<100000000xf32, #tpu.memory_space<hbm>>
    tpu.wait_indirect_dma semaphore(%arg5 : memref<!tpu.dma_semaphore, #tpu.memory_space<semaphore_mem>>) src(%dma_wait3A_311 : memref<100000000xf32, #tpu.memory_space<hbm>>) dst(%dma_wait3A_309 : memref<16xf32, #tpu.memory_space<vmem>>)
    %dma_wait3A_312 = arith.constant 128 : i32
    %dma_wait3A_313 = tpu.memref_slice %arg4[%dma_wait3A_312] : memref<320xf32, #tpu.memory_space<vmem>> -> memref<16xf32, #tpu.memory_space<vmem>>
    %dma_wait3A_314 = arith.constant 0 : i32
    %dma_wait3A_315 = tpu.memref_slice %arg2[%dma_wait3A_314] : memref<100000000xf32, #tpu.memory_space<hbm>> -> memref<100000000xf32, #tpu.memory_space<hbm>>
    tpu.wait_indirect_dma semaphore(%arg5 : memref<!tpu.dma_semaphore, #tpu.memory_space<semaphore_mem>>) src(%dma_wait3A_315 : memref<100000000xf32, #tpu.memory_space<hbm>>) dst(%dma_wait3A_313 : memref<16xf32, #tpu.memory_space<vmem>>)
    %dma_wait3A_316 = arith.constant 144 : i32
    %dma_wait3A_317 = tpu.memref_slice %arg4[%dma_wait3A_316] : memref<320xf32, #tpu.memory_space<vmem>> -> memref<16xf32, #tpu.memory_space<vmem>>
    %dma_wait3A_318 = arith.constant 0 : i32
    %dma_wait3A_319 = tpu.memref_slice %arg2[%dma_wait3A_318] : memref<100000000xf32, #tpu.memory_space<hbm>> -> memref<100000000xf32, #tpu.memory_space<hbm>>
    tpu.wait_indirect_dma semaphore(%arg5 : memref<!tpu.dma_semaphore, #tpu.memory_space<semaphore_mem>>) src(%dma_wait3A_319 : memref<100000000xf32, #tpu.memory_space<hbm>>) dst(%dma_wait3A_317 : memref<16xf32, #tpu.memory_space<vmem>>)
    %dma_wait3A_320 = arith.constant 160 : i32
    %dma_wait3A_321 = tpu.memref_slice %arg4[%dma_wait3A_320] : memref<320xf32, #tpu.memory_space<vmem>> -> memref<16xf32, #tpu.memory_space<vmem>>
    %dma_wait3A_322 = arith.constant 0 : i32
    %dma_wait3A_323 = tpu.memref_slice %arg2[%dma_wait3A_322] : memref<100000000xf32, #tpu.memory_space<hbm>> -> memref<100000000xf32, #tpu.memory_space<hbm>>
    tpu.wait_indirect_dma semaphore(%arg5 : memref<!tpu.dma_semaphore, #tpu.memory_space<semaphore_mem>>) src(%dma_wait3A_323 : memref<100000000xf32, #tpu.memory_space<hbm>>) dst(%dma_wait3A_321 : memref<16xf32, #tpu.memory_space<vmem>>)
    %dma_wait3A_324 = arith.constant 176 : i32
    %dma_wait3A_325 = tpu.memref_slice %arg4[%dma_wait3A_324] : memref<320xf32, #tpu.memory_space<vmem>> -> memref<16xf32, #tpu.memory_space<vmem>>
    %dma_wait3A_326 = arith.constant 0 : i32
    %dma_wait3A_327 = tpu.memref_slice %arg2[%dma_wait3A_326] : memref<100000000xf32, #tpu.memory_space<hbm>> -> memref<100000000xf32, #tpu.memory_space<hbm>>
    tpu.wait_indirect_dma semaphore(%arg5 : memref<!tpu.dma_semaphore, #tpu.memory_space<semaphore_mem>>) src(%dma_wait3A_327 : memref<100000000xf32, #tpu.memory_space<hbm>>) dst(%dma_wait3A_325 : memref<16xf32, #tpu.memory_space<vmem>>)
    %dma_wait3A_328 = arith.constant 192 : i32
    %dma_wait3A_329 = tpu.memref_slice %arg4[%dma_wait3A_328] : memref<320xf32, #tpu.memory_space<vmem>> -> memref<16xf32, #tpu.memory_space<vmem>>
    %dma_wait3A_330 = arith.constant 0 : i32
    %dma_wait3A_331 = tpu.memref_slice %arg2[%dma_wait3A_330] : memref<100000000xf32, #tpu.memory_space<hbm>> -> memref<100000000xf32, #tpu.memory_space<hbm>>
    tpu.wait_indirect_dma semaphore(%arg5 : memref<!tpu.dma_semaphore, #tpu.memory_space<semaphore_mem>>) src(%dma_wait3A_331 : memref<100000000xf32, #tpu.memory_space<hbm>>) dst(%dma_wait3A_329 : memref<16xf32, #tpu.memory_space<vmem>>)
    %dma_wait3A_332 = arith.constant 208 : i32
    %dma_wait3A_333 = tpu.memref_slice %arg4[%dma_wait3A_332] : memref<320xf32, #tpu.memory_space<vmem>> -> memref<16xf32, #tpu.memory_space<vmem>>
    %dma_wait3A_334 = arith.constant 0 : i32
    %dma_wait3A_335 = tpu.memref_slice %arg2[%dma_wait3A_334] : memref<100000000xf32, #tpu.memory_space<hbm>> -> memref<100000000xf32, #tpu.memory_space<hbm>>
    tpu.wait_indirect_dma semaphore(%arg5 : memref<!tpu.dma_semaphore, #tpu.memory_space<semaphore_mem>>) src(%dma_wait3A_335 : memref<100000000xf32, #tpu.memory_space<hbm>>) dst(%dma_wait3A_333 : memref<16xf32, #tpu.memory_space<vmem>>)
    %dma_wait3A_336 = arith.constant 224 : i32
    %dma_wait3A_337 = tpu.memref_slice %arg4[%dma_wait3A_336] : memref<320xf32, #tpu.memory_space<vmem>> -> memref<16xf32, #tpu.memory_space<vmem>>
    %dma_wait3A_338 = arith.constant 0 : i32
    %dma_wait3A_339 = tpu.memref_slice %arg2[%dma_wait3A_338] : memref<100000000xf32, #tpu.memory_space<hbm>> -> memref<100000000xf32, #tpu.memory_space<hbm>>
    tpu.wait_indirect_dma semaphore(%arg5 : memref<!tpu.dma_semaphore, #tpu.memory_space<semaphore_mem>>) src(%dma_wait3A_339 : memref<100000000xf32, #tpu.memory_space<hbm>>) dst(%dma_wait3A_337 : memref<16xf32, #tpu.memory_space<vmem>>)
    %dma_wait3A_340 = arith.constant 240 : i32
    %dma_wait3A_341 = tpu.memref_slice %arg4[%dma_wait3A_340] : memref<320xf32, #tpu.memory_space<vmem>> -> memref<16xf32, #tpu.memory_space<vmem>>
    %dma_wait3A_342 = arith.constant 0 : i32
    %dma_wait3A_343 = tpu.memref_slice %arg2[%dma_wait3A_342] : memref<100000000xf32, #tpu.memory_space<hbm>> -> memref<100000000xf32, #tpu.memory_space<hbm>>
    tpu.wait_indirect_dma semaphore(%arg5 : memref<!tpu.dma_semaphore, #tpu.memory_space<semaphore_mem>>) src(%dma_wait3A_343 : memref<100000000xf32, #tpu.memory_space<hbm>>) dst(%dma_wait3A_341 : memref<16xf32, #tpu.memory_space<vmem>>)
    %dma_wait3A_344 = arith.constant 256 : i32
    %dma_wait3A_345 = tpu.memref_slice %arg4[%dma_wait3A_344] : memref<320xf32, #tpu.memory_space<vmem>> -> memref<16xf32, #tpu.memory_space<vmem>>
    %dma_wait3A_346 = arith.constant 0 : i32
    %dma_wait3A_347 = tpu.memref_slice %arg2[%dma_wait3A_346] : memref<100000000xf32, #tpu.memory_space<hbm>> -> memref<100000000xf32, #tpu.memory_space<hbm>>
    tpu.wait_indirect_dma semaphore(%arg5 : memref<!tpu.dma_semaphore, #tpu.memory_space<semaphore_mem>>) src(%dma_wait3A_347 : memref<100000000xf32, #tpu.memory_space<hbm>>) dst(%dma_wait3A_345 : memref<16xf32, #tpu.memory_space<vmem>>)
    %dma_wait3A_348 = arith.constant 272 : i32
    %dma_wait3A_349 = tpu.memref_slice %arg4[%dma_wait3A_348] : memref<320xf32, #tpu.memory_space<vmem>> -> memref<16xf32, #tpu.memory_space<vmem>>
    %dma_wait3A_350 = arith.constant 0 : i32
    %dma_wait3A_351 = tpu.memref_slice %arg2[%dma_wait3A_350] : memref<100000000xf32, #tpu.memory_space<hbm>> -> memref<100000000xf32, #tpu.memory_space<hbm>>
    tpu.wait_indirect_dma semaphore(%arg5 : memref<!tpu.dma_semaphore, #tpu.memory_space<semaphore_mem>>) src(%dma_wait3A_351 : memref<100000000xf32, #tpu.memory_space<hbm>>) dst(%dma_wait3A_349 : memref<16xf32, #tpu.memory_space<vmem>>)
    %dma_wait3A_352 = arith.constant 288 : i32
    %dma_wait3A_353 = tpu.memref_slice %arg4[%dma_wait3A_352] : memref<320xf32, #tpu.memory_space<vmem>> -> memref<16xf32, #tpu.memory_space<vmem>>
    %dma_wait3A_354 = arith.constant 0 : i32
    %dma_wait3A_355 = tpu.memref_slice %arg2[%dma_wait3A_354] : memref<100000000xf32, #tpu.memory_space<hbm>> -> memref<100000000xf32, #tpu.memory_space<hbm>>
    tpu.wait_indirect_dma semaphore(%arg5 : memref<!tpu.dma_semaphore, #tpu.memory_space<semaphore_mem>>) src(%dma_wait3A_355 : memref<100000000xf32, #tpu.memory_space<hbm>>) dst(%dma_wait3A_353 : memref<16xf32, #tpu.memory_space<vmem>>)
    %dma_wait3A_356 = arith.constant 304 : i32
    %dma_wait3A_357 = tpu.memref_slice %arg4[%dma_wait3A_356] : memref<320xf32, #tpu.memory_space<vmem>> -> memref<16xf32, #tpu.memory_space<vmem>>
    %dma_wait3A_358 = arith.constant 0 : i32
    %dma_wait3A_359 = tpu.memref_slice %arg2[%dma_wait3A_358] : memref<100000000xf32, #tpu.memory_space<hbm>> -> memref<100000000xf32, #tpu.memory_space<hbm>>
    tpu.wait_indirect_dma semaphore(%arg5 : memref<!tpu.dma_semaphore, #tpu.memory_space<semaphore_mem>>) src(%dma_wait3A_359 : memref<100000000xf32, #tpu.memory_space<hbm>>) dst(%dma_wait3A_357 : memref<16xf32, #tpu.memory_space<vmem>>)
    "tpu.region"() ({
      %run_scoped3A = tpu.sem_alloc : memref<!tpu.dma_semaphore, #tpu.memory_space<semaphore_mem>>
      %dma_start3A_360 = tpu.memref_slice %arg3[%mul3A_2] : memref<10240xf32, #tpu.memory_space<hbm>> -> memref<320xf32, #tpu.memory_space<hbm>>
      %dma_start3A_361 = tpu.memref_slice %arg3[%mul3A_2] : memref<10240xf32, #tpu.memory_space<hbm>> -> memref<320xf32, #tpu.memory_space<hbm>>
      tpu.enqueue_dma source(%arg4 : memref<320xf32, #tpu.memory_space<vmem>>) target(%dma_start3A_361 : memref<320xf32, #tpu.memory_space<hbm>>) target_semaphore(%run_scoped3A : memref<!tpu.dma_semaphore, #tpu.memory_space<semaphore_mem>>)
      %dma_wait3A_362 = tpu.memref_slice %arg3[%mul3A_2] : memref<10240xf32, #tpu.memory_space<hbm>> -> memref<320xf32, #tpu.memory_space<hbm>>
      %dma_wait3A_363 = tpu.memref_slice %arg3[%mul3A_2] : memref<10240xf32, #tpu.memory_space<hbm>> -> memref<320xf32, #tpu.memory_space<hbm>>
      tpu.wait_dma2 semaphore(%run_scoped3A : memref<!tpu.dma_semaphore, #tpu.memory_space<semaphore_mem>>) src(%arg4 : memref<320xf32, #tpu.memory_space<vmem>>) dst(%dma_wait3A_363 : memref<320xf32, #tpu.memory_space<hbm>>)
      tpu.yield
    }) : () -> ()
    return
  }
}

module attributes {stable_mosaic.version = 14 : i64} {
  func.func @_prep_kernel(%arg0: memref<10000x128xf32, #tpu.memory_space<vmem>>, %arg1: memref<128x128xf32, #tpu.memory_space<vmem>>, %arg2: memref<10000x128xbf16, #tpu.memory_space<vmem>>) attributes {dimension_semantics = [], scalar_prefetch = 0 : i64, scratch_operands = 0 : i64, tpu.core_type = #tpu.core_type<tc>} {
    %get3A = arith.constant 0 : index
    %get3A_0 = arith.constant 0 : index
    %get3A_1 = vector.load %arg0[%get3A, %get3A_0] : memref<10000x128xf32, #tpu.memory_space<vmem>>, vector<10000x128xf32>
    %get3A_2 = arith.constant 0 : index
    %get3A_3 = arith.constant 0 : index
    %get3A_4 = vector.load %arg1[%get3A_2, %get3A_3] : memref<128x128xf32, #tpu.memory_space<vmem>>, vector<128x128xf32>
    %dot_general3A = arith.constant dense<0.000000e+00> : vector<10000x128xf32>
    %dot_general3A_5 = tpu.matmul %get3A_1, %get3A_4, %dot_general3A {dimension_numbers = #tpu.dot_dimension_numbers<[1], [0], [0], [1], [0, 0, 1, 1], [], []>, transpose_lhs_hint = false} : vector<10000x128xf32>, vector<128x128xf32>, vector<10000x128xf32> -> vector<10000x128xf32>
    %convert_element_type3A = arith.truncf %dot_general3A_5 : vector<10000x128xf32> to vector<10000x128xbf16>
    %swap3A = arith.constant 0 : index
    %swap3A_6 = arith.constant 0 : index
    %swap3A_7 = vector.load %arg2[%swap3A, %swap3A_6] : memref<10000x128xbf16, #tpu.memory_space<vmem>>, vector<10000x128xbf16>
    tpu.vector_store %arg2[%swap3A, %swap3A_6], %convert_element_type3A {strides = array<i32>} : memref<10000x128xbf16, #tpu.memory_space<vmem>>, vector<10000x128xbf16>,
    return
  }
}

module attributes {stable_mosaic.version = 14 : i64} {
  func.func @_main_kernel(%arg0: i32, %arg1: memref<400x10000xf32, #tpu.memory_space<vmem>>, %arg2: memref<10000x128xbf16, #tpu.memory_space<vmem>>, %arg3: memref<1x10000xbf16, #tpu.memory_space<vmem>>, %arg4: memref<1x128xf32, #tpu.memory_space<vmem>>, %arg5: memref<400x128xf32, #tpu.memory_space<vmem>>, %arg6: memref<1x128xf32, #tpu.memory_space<vmem>>) attributes {dimension_semantics = [#tpu.dimension_semantics<arbitrary>], iteration_bounds = array<i64: 25>, scalar_prefetch = 0 : i64, scratch_operands = 1 : i64, tpu.core_type = #tpu.core_type<tc>, window_params = [{transform_indices = @transform_0, window_bounds = array<i64: 400, 10000>}, {pipeline_mode = #tpu.pipeline_mode<synchronous>, transform_indices = @transform_1, window_bounds = array<i64: 10000, 128>}, {pipeline_mode = #tpu.pipeline_mode<synchronous>, transform_indices = @transform_2, window_bounds = array<i64: 1, 10000>}, {pipeline_mode = #tpu.pipeline_mode<synchronous>, transform_indices = @transform_3, window_bounds = array<i64: 1, 128>}, {transform_indices = @transform_4, window_bounds = array<i64: 400, 128>}]} {
    %eq3A = arith.constant 0 : i32
    %eq3A_0 = arith.cmpi eq, %arg0, %eq3A : i32
    %convert_element_type3A = arith.extui %eq3A_0 : i1 to i32
    %cond3A = arith.constant 0 : i32
    %cond3A_1 = arith.cmpi ne, %convert_element_type3A, %cond3A : i32
    scf.if %cond3A_1 {
      %get3A_20 = arith.constant 0 : index
      %get3A_21 = arith.constant 0 : index
      %get3A_22 = vector.load %arg3[%get3A_20, %get3A_21] : memref<1x10000xbf16, #tpu.memory_space<vmem>>, vector<1x10000xbf16>
      %get3A_23 = arith.constant 0 : index
      %get3A_24 = arith.constant 0 : index
      %get3A_25 = vector.load %arg2[%get3A_23, %get3A_24] : memref<10000x128xbf16, #tpu.memory_space<vmem>>, vector<10000x128xbf16>
      %dot_general3A_26 = arith.constant dense<0.000000e+00> : vector<1x128xf32>
      %dot_general3A_27 = tpu.matmul %get3A_22, %get3A_25, %dot_general3A_26 {dimension_numbers = #tpu.dot_dimension_numbers<[1], [0], [0], [1], [0, 0, 1, 1], [], []>, transpose_lhs_hint = false} : vector<1x10000xbf16>, vector<10000x128xbf16>, vector<1x128xf32> -> vector<1x128xf32>
      %swap3A_28 = arith.constant 0 : index
      %swap3A_29 = arith.constant 0 : index
      %swap3A_30 = vector.load %arg6[%swap3A_28, %swap3A_29] : memref<1x128xf32, #tpu.memory_space<vmem>>, vector<1x128xf32>
      tpu.vector_store %arg6[%swap3A_28, %swap3A_29], %dot_general3A_27 {strides = array<i32>} : memref<1x128xf32, #tpu.memory_space<vmem>>, vector<1x128xf32>,
    } else {
    }
    %get3A = arith.constant 0 : index
    %get3A_2 = arith.constant 0 : index
    %get3A_3 = vector.load %arg1[%get3A, %get3A_2] : memref<400x10000xf32, #tpu.memory_space<vmem>>, vector<400x10000xf32>
    %convert_element_type3A_4 = arith.truncf %get3A_3 : vector<400x10000xf32> to vector<400x10000xbf16>
    %get3A_5 = arith.constant 0 : index
    %get3A_6 = arith.constant 0 : index
    %get3A_7 = vector.load %arg2[%get3A_5, %get3A_6] : memref<10000x128xbf16, #tpu.memory_space<vmem>>, vector<10000x128xbf16>
    %dot_general3A = arith.constant dense<0.000000e+00> : vector<400x128xf32>
    %dot_general3A_8 = tpu.matmul %convert_element_type3A_4, %get3A_7, %dot_general3A {dimension_numbers = #tpu.dot_dimension_numbers<[1], [0], [0], [1], [0, 0, 1, 1], [], []>, transpose_lhs_hint = false} : vector<400x10000xbf16>, vector<10000x128xbf16>, vector<400x128xf32> -> vector<400x128xf32>
    %get3A_9 = arith.constant 0 : index
    %get3A_10 = arith.constant 0 : index
    %get3A_11 = vector.load %arg6[%get3A_9, %get3A_10] : memref<1x128xf32, #tpu.memory_space<vmem>>, vector<1x128xf32>
    %add3A = vector.broadcast %get3A_11 : vector<1x128xf32> to vector<400x128xf32>
    %add3A_12 = arith.addf %dot_general3A_8, %add3A : vector<400x128xf32>
    %get3A_13 = arith.constant 0 : index
    %get3A_14 = arith.constant 0 : index
    %get3A_15 = vector.load %arg4[%get3A_13, %get3A_14] : memref<1x128xf32, #tpu.memory_space<vmem>>, vector<1x128xf32>
    %add3A_16 = vector.broadcast %get3A_15 : vector<1x128xf32> to vector<400x128xf32>
    %add3A_17 = arith.addf %add3A_12, %add3A_16 : vector<400x128xf32>
    %swap3A = arith.constant 0 : index
    %swap3A_18 = arith.constant 0 : index
    %swap3A_19 = vector.load %arg5[%swap3A, %swap3A_18] : memref<400x128xf32, #tpu.memory_space<vmem>>, vector<400x128xf32>
    tpu.vector_store %arg5[%swap3A, %swap3A_18], %add3A_17 {strides = array<i32>} : memref<400x128xf32, #tpu.memory_space<vmem>>, vector<400x128xf32>,
    return
  }
  func.func @transform_0(%arg0: i32) -> (i32, i32) {
    %c0_i32 = arith.constant 0 : i32
    %c0_i32_0 = arith.constant 0 : i32
    return %arg0, %c0_i32 : i32, i32
  }
  func.func @transform_1(%arg0: i32) -> (i32, i32) {
    %c0_i32 = arith.constant 0 : i32
    %c0_i32_0 = arith.constant 0 : i32
    %c0_i32_1 = arith.constant 0 : i32
    return %c0_i32, %c0_i32_0 : i32, i32
  }
  func.func @transform_2(%arg0: i32) -> (i32, i32) {
    %c0_i32 = arith.constant 0 : i32
    %c0_i32_0 = arith.constant 0 : i32
    %c0_i32_1 = arith.constant 0 : i32
    return %c0_i32, %c0_i32_0 : i32, i32
  }
  func.func @transform_3(%arg0: i32) -> (i32, i32) {
    %c0_i32 = arith.constant 0 : i32
    %c0_i32_0 = arith.constant 0 : i32
    %c0_i32_1 = arith.constant 0 : i32
    return %c0_i32, %c0_i32_0 : i32, i32
  }
  func.func @transform_4(%arg0: i32) -> (i32, i32) {
    %c0_i32 = arith.constant 0 : i32
    %c0_i32_0 = arith.constant 0 : i32
    return %arg0, %c0_i32 : i32, i32
  }
}

</mosaic_0001>

<sc_bundles>
// kernel: kernel.5.cloned.1.call-start
scs
__scs_entry_jumppad:
0x0: {  	(pc) =	sbr.rel $0x88, $3  }
0x1: {  	(tag) =	ssettag $0x0;
	lr =	simm.s32 $0x1  }
0x2: {  	[smem:$0x3F9D] =	sst lr;
	_ =	strace $0xD0000000  }
0x3: {  	_ = 	snop  }
0x4: {  	_ = 	snop  }
0x5: {  	_ = 	snop  }
0x6: {  	_ = 	snop  }
0x7: {  	_ = 	snop  }
__scs_overlays_trampoline_lowered:
0x8: {  	[smem:$0x3FAC] =	sst s0  }
0x9: {  	[smem:$0x3FAD] =	sst s1  }
0xa: {  	[smem:$0x3FAE] =	sst s2  }
0xb: {  	[smem:$0x3FAF] =	sst s3  }
0xc: {  	[smem:$0x3FB0] =	sst s4  }
0xd: {  	[smem:$0x3FB1] =	sst s5  }
0xe: {  	[smem:$0x3FB2] =	sst s6  }
0xf: {  	[smem:$0x3FB3] =	sst s7  }
0x10: {  	[smem:$0x3FB4] =	sst s8  }
0x11: {  	[smem:$0x3FB5] =	sst s9;
	s0 =	simm.s32 @!p0 $0x0  }
0x12: {  	s1 =	sld [smem:$0x3F9B];
	s0 =	simm.s32 @p0 $0x1  }
0x13: {  	[smem:$0x3FB6] =	sst s0;
	s0 =	simm.s32 @!p1 $0x0  }
0x14: {  	s2 =	sld [smem:$0x3F9A];
	s0 =	simm.s32 @p1 $0x1  }
0x15: {  	[smem:$0x3FB7] =	sst s0;
	s0 =	simm.s32 @!p2 $0x0  }
0x16: {  	s3 =	sld [smem:$0x3FDB];
	s0 =	simm.s32 @p2 $0x1  }
0x17: {  	s4 =	simm.s32 $0x1BF5;
	[smem:$0x3FB9] =	sst s0  }
0x18: {  	s0 =	sld [smem:$0x3F9C];
	_ =	swait.ge [sflag:s4], $0x0  }
0x19: {  	s7 =	sld [smem:$0x3F9D]  }
0x1a: {  	s8 =	sadd.s32 $0xFFFFE003, lr  }
0x1b: {  	s9 =	sadd.s32 $0xFFFFFEF7, lr;
	s5 =	simm.s32 $0xFFFFFFFF;
	p2 =	slt.u32 s8, $0xFFFFF086  }
0x1c: {  	p1 =	slt.u32 s9, $0xF7A;
	s5 =	simm.s32 @!p2 $0x0  }
0x1d: {  	s5 =	simm.s32 @p1 $0x1;
	p0 =	seq.s32 s7, s2  }
0x1e: {  	s7 =	smul.u32 @!p0 $0xF7A, s2;
	p2 =	seq.s32 @!p0 s5, $0x0  }
0x1f: {  	s9 =	smul.u32 $0xF7A, s1;
	s8 =	simm.s32 @!p0 $0x1BF5;
	p2 =	por !p2, p0  }
0x20: {  	[sflag:s8] =	ssyncset.s32 @!p0 $0xFFFFF086;
	s6 =	sadd.s32 @!p0 s3, s7;
	s7 =	simm.s32 @!p0 $0x108  }
0x21: {  	s3 =	sadd.s32 s3, s9;
	s6 =	sadd.s32 @!p0 $0x88, s6;
	s7 =	simm.s32 @p2 $0x1082  }
0x22: {  	[simem:s7], [sflag:s8] =	dma.local @!p0 [hbm:s6], $0xF7A  }
0x23: {  	s9 =	sor.u32 $0xD0000000, s2;
	s6 =	simm.s32 $0x108;
	_ =	swait.ge @!p0 [sflag:s8], $0x0  }
0x24: {  	s3 =	sadd.s32 $0x88, s3;
	s6 =	simm.s32 @!p1 $0x1082;
	[sflag:s4] =	ssyncset.s32 $0xFFFFF086  }
0x25: {  	[simem:s6], [sflag:s4] =	dma.local [hbm:s3], $0xF7A  }
0x26: {  	[smem:$0x3F9D] =	sst s1;
	(tag) =	ssettag s2;
	_ =	strace s9  }
0x27: {  	s1 =	sld [smem:$0x3FAD]  }
0x28: {  	s2 =	sld [smem:$0x3FAE]  }
0x29: {  	s4 =	sld [smem:$0x3FB0]  }
0x2a: {  	p0 =	seq.s32 s5, $0x0;
	s5 =	sld [smem:$0x3FB1]  }
0x2b: {  	s6 =	sld [smem:$0x3FB2]  }
0x2c: {  	s7 =	sld [smem:$0x3FB3]  }
0x2d: {  	s3 =	simm.s32 $0x108;
	s8 =	sld [smem:$0x3FB4]  }
0x2e: {  	s3 =	simm.s32 @!p0 $0x1082;
	s9 =	sld [smem:$0x3FB5]  }
0x2f: {  	lr =	sadd.s32 s0, s3;
	s0 =	sld [smem:$0x3FAC]  }
0x30: {  	s3 =	sld [smem:$0x3FAF]  }
0x31: {  	[smem:$0x3FB8] =	sst s10  }
0x32: {  	s10 =	sld [smem:$0x3FB6];
	_ =	sdelay $0x3  }
0x33: {  	p0 =	seq.s32 s10, $0x1;
	s10 =	sld [smem:$0x3FB8];
	_ =	sdelay $0x3  }
0x34: {  	[smem:$0x3FB8] =	sst s10  }
0x35: {  	s10 =	sld [smem:$0x3FB7];
	_ =	sdelay $0x3  }
0x36: {  	p1 =	seq.s32 s10, $0x1;
	s10 =	sld [smem:$0x3FB8];
	_ =	sdelay $0x3  }
0x37: {  	[smem:$0x3FB8] =	sst s10  }
0x38: {  	s10 =	sld [smem:$0x3FB9]  }
0x39: {  	_ = 	snop;
	(pc) =	sbr.ind lr, $3  }
0x3a: {  	_ = 	snop  }
0x3b: {  	_ = 	snop  }
0x3c: {  	p2 =	seq.s32 s10, $0x1;
	s10 =	sld [smem:$0x3FB8]  }
0x3d: {  	_ =	shalt  }
0x3e: {  	_ =	shalt  }
0x3f: {  	_ =	shalt  }
0x40: {  	_ =	shalt  }
0x41: {  	_ =	shalt  }
0x42: {  	_ =	shalt  }
0x43: {  	_ =	shalt  }
0x44: {  	_ =	shalt  }
0x45: {  	_ =	shalt  }
0x46: {  	_ =	shalt  }
0x47: {  	_ =	shalt  }
0x48: {  	_ =	shalt  }
0x49: {  	_ =	shalt  }
0x4a: {  	_ =	shalt  }
0x4b: {  	_ =	shalt  }
0x4c: {  	_ =	shalt  }
0x4d: {  	_ =	shalt  }
0x4e: {  	_ =	shalt  }
0x4f: {  	_ =	shalt  }
0x50: {  	_ =	shalt  }
0x51: {  	_ =	shalt  }
0x52: {  	_ =	shalt  }
0x53: {  	_ =	shalt  }
0x54: {  	_ =	shalt  }
0x55: {  	_ =	shalt  }
0x56: {  	_ =	shalt  }
0x57: {  	_ =	shalt  }
0x58: {  	_ =	shalt  }
0x59: {  	_ =	shalt  }
0x5a: {  	_ =	shalt  }
0x5b: {  	_ =	shalt  }
0x5c: {  	_ =	shalt  }
0x5d: {  	_ =	shalt  }
0x5e: {  	_ =	shalt  }
0x5f: {  	_ =	shalt  }
0x60: {  	_ =	shalt  }
0x61: {  	_ =	shalt  }
0x62: {  	_ =	shalt  }
0x63: {  	_ =	shalt  }
0x64: {  	_ =	shalt  }
0x65: {  	_ =	shalt  }
0x66: {  	_ =	shalt  }
0x67: {  	_ =	shalt  }
0x68: {  	_ =	shalt  }
0x69: {  	_ =	shalt  }
0x6a: {  	_ =	shalt  }
0x6b: {  	_ =	shalt  }
0x6c: {  	_ =	shalt  }
0x6d: {  	_ =	shalt  }
0x6e: {  	_ =	shalt  }
0x6f: {  	_ =	shalt  }
0x70: {  	_ =	shalt  }
0x71: {  	_ =	shalt  }
0x72: {  	_ =	shalt  }
0x73: {  	_ =	shalt  }
0x74: {  	_ =	shalt  }
0x75: {  	_ =	shalt  }
0x76: {  	_ =	shalt  }
0x77: {  	_ =	shalt  }
0x78: {  	_ =	shalt  }
0x79: {  	_ =	shalt  }
0x7a: {  	_ =	shalt  }
0x7b: {  	_ =	shalt  }
0x7c: {  	_ =	shalt  }
0x7d: {  	_ =	shalt  }
0x7e: {  	_ =	shalt  }
0x7f: {  	_ =	shalt  }
0x80: {  	_ =	shalt  }
0x81: {  	_ =	shalt  }
0x82: {  	_ =	shalt  }
0x83: {  	_ =	shalt  }
0x84: {  	_ =	shalt  }
0x85: {  	_ =	shalt  }
0x86: {  	_ =	shalt  }
0x87: {  	_ =	shalt  }
.Lfunc_end0:
.L_simem_size_0:
called_computation_lowered:
.L_overlay_start_0:
0x88: {  	s2 =	sld [smem:$0x3FD9]  }
0x89: {  	s3 =	sld [smem:$0x3FFE];
	_ =	sdelay $0x1  }
0x8a: {  	s1 =	srdreg.scid  }
0x8b: {  	s0 =	sand.u32 $0x1, s1  }
0x8c: {  	s17 =	sshll.u32 s0, $0xA;
	s2 =	sadd.s32 s3, s2  }
0x8d: {  	s2 =	sadd.s32 s2, s17  }
0x8e: {  	[smem:$0x3FC4] =	sst s2  }
0x8f: {  	_ = 	snop  }
0x90: {  	s2 =	sld [smem:$0x3FD0];
	(tm) =	ssettm $0x1  }
0x91: {  	s18 =	sld [smem:$0x3FFB];
	_ =	sdelay $0x3  }
0x92: {  	_ =	strace s18  }
0x93: {  	s3 =	sld [smem:$0x3FFC];
	_ =	sdelay $0x3  }
0x94: {  	_ =	strace s3  }
0x95: {  	s3 =	sld [smem:$0x3FFD];
	_ =	sdelay $0x3  }
0x96: {  	_ =	strace s3  }
0x97: {  	_ =	strace $0x8FFFFFFF  }
0x98: {  	s19 =	sld [smem:$0x3FDB];
	_ =	sdelay $0x1  }
0x99: {  	s4 =	simm.s32 $_scs_section_size  }
0x9a: {  	s5 =	simm.s32 $_size__tile_overlayer_lowered;
	s6 =	simm.s32 $_tile_overlayer_lowered  }
0x9b: {  	s22 =	simm.s32 $0x1BFF;
	s21 =	sshll.u32 s6, $0x1;
	s3 =	sadd.s32 s4, s19  }
0x9c: {  	s7 =	simm.s32 $0x0;
	s20 =	sshll.u32 s5, $0x1;
	s5 =	sadd.s32 s21, s3  }
0x9d: {  	[timem:s7], [sflag:s22] =	dma.local [hbm:s5], s20  }
0x9e: {  	_ =	swait.ge [sflag:s22], s20  }
0x9f: {  	s4 =	ssub.s32 $0x0, s20;
	[sflag:s22] =	ssyncset.done $0x0  }
0xa0: {  	[sflag:s22] =	ssyncadd.s32 s4;
	_ =	sdelay $0x1  }
0xa1: {  	s23 =	simm.s32 $0x1B8B  }
0xa2: {  	_ =	swait.ge [sflag:s23], $0x1  }
0xa3: {  	[sflag:s23] =	ssyncset.done $0x0  }
0xa4: {  	s25 =	simm.s32 $0x1B8E;
	s24 =	sld [smem:$0x3FFE];
	[sflag:s23] =	ssyncadd.s32 $0xFFFFFFFF  }
0xa5: {  	s26 =	simm.s32 $execute0_lowered;
	[smem:$0x3FD2] =	sst s25  }
0xa6: {  	s5 =	sshll.u32 s26, $0x1;
	_ =	strace $0x80000046;
	[dreg:$0x1] =	wrdreg $0xFFFFFFFF  }
0xa7: {  	s28 =	simm.s32 $_size_execute0_lowered;
	s3 =	sadd.s32 s3, s5;
	[dreg:$0x0] =	wrdreg $0x0  }
0xa8: {  	s5 =	sshll.u32 s28, $0x1;
	[dreg:$0x2] =	wrdreg s3  }
0xa9: {  	[dreg:$0x3] =	wrdreg s5  }
0xaa: {  	[dreg:$0x4] =	wrdreg $0xC0  }
0xab: {  	_ =	task [dreg:s7], $0x5FFFF  }
0xac: {  	[dreg:$0x1] =	wrdreg $0xFFFFFFFF  }
0xad: {  	[dreg:$0x0] =	wrdreg $0x60  }
0xae: {  	[dreg:$0x2] =	wrdreg s24  }
0xaf: {  	[dreg:$0x3] =	wrdreg s2  }
0xb0: {  	[dreg:$0x4] =	wrdreg $0x9  }
0xb1: {  	_ =	task.clear_ibuf [dreg:s7], $0x5FFFF;
	_ =	strace $0x90000046  }
0xb2: {  	s29 =	simm.s32 $0x9;
	_ =	strace $0x80000048  }
0xb3: {  	_ =	swait.ge [sflag:s29], $0x1  }
0xb4: {  	[sflag:s29] =	ssyncadd.s32 $0xFFFFFFFF  }
0xb5: {  	_ =	strace $0x90000048  }
0xb6: {  	_ =	sfence  }
0xb7: {  	s30 =	sld [smem:$0x0];
	_ =	sdelay $0x2  }
0xb8: {  	s31 =	sshll.u32 s1, $0xD;
	s1 =	sshrl.u32 s1, $0x2  }
0xb9: {  	s3 =	sand.u32 $0x4000, s31;
	s1 =	sadd.s32 s1, s30  }
0xba: {  	s0 =	sor.u32 s3, s0;
	s1 =	sshll.u32 s1, $0x11  }
0xbb: {  	s0 =	sor.u32 s1, s0  }
0xbc: {  	s0 =	sadd.s32 $0x8F2B, s0  }
0xbd: {  	[sflag:s0] =	ssyncadd.remote.s32 $0x1  }
0xbe: {  	_ =	sfence.sel $0xFFFF  }
0xbf: {  	[dreg:$0x0] =	wrdreg $0xFFFFFFFF;
	(pc) =	sbr.abs _section_cstart, $3  }
0xc0: {  	[dreg:$0x1] =	wrdreg $0xFFFFFFFF  }
0xc1: {  	_ =	task.clear_ibuf [dreg:s7], $0x2FFFF;
	_ =	strace $0x9FFFFFFF  }
0xc2: {  	(tm) =	ssettm $0x7FFFFFFF  }
0xc3: {  	_ =	shalt  }
tec
execute0_lowered:
.L_overlay_start_1:
0x0: {  	(tag) =	ssettag $0x1  }
0x1: {  	s1 =	srdreg.scid;
	s0 =	stileid.u32  }
0x2: {  	s24 =	sand.u32 $0x1, s1;
	s22 =	sshll.u32 s0, $0x1  }
0x3: {  	s1 =	sor.u32 s24, s22  }
0x4: {  	s25 =	smul.u32 $0x140, s1;
	_ =	sdelay $0x1  }
0x5: {  	v0 =	vmov s25  }
0x6: {  	s1 =	sor.u32 $0x10, s25;
	v0 =	vmul.u32 $0x2711, v0  }
0x7: {  	v1 =	vlaneseq.u32;
	v2 =	vmov s1  }
0x8: {  	v19 =	vmul.u32 $0x2711, v1;
	s23 =	sor.u32 $0x20, s25;
	s26 =	sor.u32 $0x30, s25;
	s28 =	sadd.s32 $0x40, s25;
	v1 =	vmul.u32 $0x2711, v2;
	v0 =	vbroadcast v0, $0x0  }
0x9: {  	v3 =	vmov s26;
	v4 =	vmov s28;
	v2 =	vmov s23  }
0xa: {  	s4 =	sadd.s32 $0x50, s25;
	v2 =	vmul.u32 $0x2711, v2;
	v1 =	vbroadcast v1, $0x0;
	v0 =	vadd.s32 v19, v0  }
0xb: {  	v5 =	vmov s4;
	v3 =	vmul.u32 $0x2711, v3;
	vm0 =	vlt.s32 v0, $0x5F5E0FF  }
0xc: {  	s29 =	sadd.s32 $0x60, s25;
	v2 =	vbroadcast v2, $0x0;
	v1 =	vadd.s32 v19, v1;
	v0 =	vnsel vm0, $0x5F5E0FF, v0  }
0xd: {  	s3 =	rddreg [dreg:$0x0];
	s2 =	simm.s32 $0x0;
	v6 =	vmov s29;
	v4 =	vmul.u32 $0x2711, v4;
	vm0 =	vlt.s32 v1, $0x5F5E0FF  }
0xe: {  	[smem:$0x7FF] =	sst s2;
	v3 =	vbroadcast v3, $0x0;
	v2 =	vadd.s32 v19, v2;
	v1 =	vnsel vm0, $0x5F5E0FF, v1  }
0xf: {  	s3 =	sadd.s32 $0xA00, s3;
	s26 =	rddreg [dreg:$0x1];
	v5 =	vmul.u32 $0x2711, v5;
	v4 =	vbroadcast v4, $0x0;
	vm1 =	vlt.s32 v2, $0x5F5E0FF  }
0x10: {  	s30 =	sadd.s32 $0x70, s25;
	s1 =	rddreg [dreg:$0x2];
	_ =	strace $0x80000047;
	v3 =	vadd.s32 v19, v3;
	vm0 =	vmmov $0xffff;
	v2 =	vnsel vm1, $0x5F5E0FF, v2  }
0x11: {  	v7 =	vmov s30;
	v6 =	vmul.u32 $0x2711, v6;
	vm1 =	vlt.s32 v3, $0x5F5E0FF;
	[tilespmem:s2], [sflag:$0x1] =	stream.indirect_vreg.gather [hbm4b:s3+s2], $0x1, v0, vm0, $0xb8;
	[tilespmem:$0x180] =	vst v63  }
0x12: {  	s5 =	sadd.s32 $0x80, s25;
	s4 =	simm.s32 $0x10;
	v5 =	vbroadcast v5, $0x0;
	v4 =	vadd.s32 v19, v4;
	v3 =	vnsel vm1, $0x5F5E0FF, v3  }
0x13: {  	v8 =	vmov s5;
	v7 =	vmul.u32 $0x2711, v7;
	vm1 =	vlt.s32 v4, $0x5F5E0FF;
	[tilespmem:s4], [sflag:$0x1] =	stream.indirect_vreg.gather [hbm4b:s3+s2], $0x1, v1, vm0, $0xb8;
	[tilespmem:$0x180] =	vst v63  }
0x14: {  	s6 =	sadd.s32 $0x90, s25;
	s5 =	simm.s32 $0x20;
	v6 =	vbroadcast v6, $0x0;
	v5 =	vadd.s32 v19, v5;
	v4 =	vnsel vm1, $0x5F5E0FF, v4  }
0x15: {  	v9 =	vmov s6;
	v8 =	vmul.u32 $0x2711, v8;
	vm1 =	vlt.s32 v5, $0x5F5E0FF;
	[tilespmem:s5], [sflag:$0x1] =	stream.indirect_vreg.gather [hbm4b:s3+s2], $0x1, v2, vm0, $0xb8;
	[tilespmem:$0x180] =	vst v63  }
0x16: {  	s7 =	sadd.s32 $0xA0, s25;
	s6 =	simm.s32 $0x30;
	v7 =	vbroadcast v7, $0x0;
	v6 =	vadd.s32 v19, v6;
	v5 =	vnsel vm1, $0x5F5E0FF, v5  }
0x17: {  	v10 =	vmov s7;
	v9 =	vmul.u32 $0x2711, v9;
	vm1 =	vlt.s32 v6, $0x5F5E0FF;
	[tilespmem:s6], [sflag:$0x1] =	stream.indirect_vreg.gather [hbm4b:s3+s2], $0x1, v3, vm0, $0xb8;
	[tilespmem:$0x180] =	vst v63  }
0x18: {  	s8 =	sadd.s32 $0xB0, s25;
	s7 =	simm.s32 $0x40;
	v8 =	vbroadcast v8, $0x0;
	v7 =	vadd.s32 v19, v7;
	v6 =	vnsel vm1, $0x5F5E0FF, v6  }
0x19: {  	v11 =	vmov s8;
	v10 =	vmul.u32 $0x2711, v10;
	vm1 =	vlt.s32 v7, $0x5F5E0FF;
	[tilespmem:s7], [sflag:$0x1] =	stream.indirect_vreg.gather [hbm4b:s3+s2], $0x1, v4, vm0, $0xb8;
	[tilespmem:$0x180] =	vst v63  }
0x1a: {  	s9 =	sadd.s32 $0xC0, s25;
	s8 =	simm.s32 $0x50;
	v9 =	vbroadcast v9, $0x0;
	v8 =	vadd.s32 v19, v8;
	v7 =	vnsel vm1, $0x5F5E0FF, v7  }
0x1b: {  	v12 =	vmov s9;
	v11 =	vmul.u32 $0x2711, v11;
	vm1 =	vlt.s32 v8, $0x5F5E0FF;
	[tilespmem:s8], [sflag:$0x1] =	stream.indirect_vreg.gather [hbm4b:s3+s2], $0x1, v5, vm0, $0xb8;
	[tilespmem:$0x180] =	vst v63  }
0x1c: {  	s10 =	sadd.s32 $0xD0, s25;
	s9 =	simm.s32 $0x60;
	v10 =	vbroadcast v10, $0x0;
	v9 =	vadd.s32 v19, v9;
	v8 =	vnsel vm1, $0x5F5E0FF, v8  }
0x1d: {  	v13 =	vmov s10;
	v12 =	vmul.u32 $0x2711, v12;
	vm1 =	vlt.s32 v9, $0x5F5E0FF;
	[tilespmem:s9], [sflag:$0x1] =	stream.indirect_vreg.gather [hbm4b:s3+s2], $0x1, v6, vm0, $0xb8;
	[tilespmem:$0x180] =	vst v63  }
0x1e: {  	s11 =	sadd.s32 $0xE0, s25;
	s10 =	simm.s32 $0x70;
	v11 =	vbroadcast v11, $0x0;
	v10 =	vadd.s32 v19, v10;
	v9 =	vnsel vm1, $0x5F5E0FF, v9  }
0x1f: {  	v14 =	vmov s11;
	v13 =	vmul.u32 $0x2711, v13;
	vm1 =	vlt.s32 v10, $0x5F5E0FF;
	[tilespmem:s10], [sflag:$0x1] =	stream.indirect_vreg.gather [hbm4b:s3+s2], $0x1, v7, vm0, $0xb8;
	[tilespmem:$0x180] =	vst v63  }
0x20: {  	s12 =	sadd.s32 $0xF0, s25;
	s11 =	simm.s32 $0x80;
	v12 =	vbroadcast v12, $0x0;
	v11 =	vadd.s32 v19, v11;
	v10 =	vnsel vm1, $0x5F5E0FF, v10  }
0x21: {  	v15 =	vmov s12;
	v14 =	vmul.u32 $0x2711, v14;
	vm1 =	vlt.s32 v11, $0x5F5E0FF;
	[tilespmem:s11], [sflag:$0x1] =	stream.indirect_vreg.gather [hbm4b:s3+s2], $0x1, v8, vm0, $0xb8;
	[tilespmem:$0x180] =	vst v63  }
0x22: {  	s13 =	sadd.s32 $0x100, s25;
	s12 =	simm.s32 $0x90;
	v13 =	vbroadcast v13, $0x0;
	v12 =	vadd.s32 v19, v12;
	v11 =	vnsel vm1, $0x5F5E0FF, v11  }
0x23: {  	v16 =	vmov s13;
	v15 =	vmul.u32 $0x2711, v15;
	vm1 =	vlt.s32 v12, $0x5F5E0FF;
	[tilespmem:s12], [sflag:$0x1] =	stream.indirect_vreg.gather [hbm4b:s3+s2], $0x1, v9, vm0, $0xb8;
	[tilespmem:$0x180] =	vst v63  }
0x24: {  	s15 =	sadd.s32 $0x110, s25;
	s13 =	simm.s32 $0xA0;
	v14 =	vbroadcast v14, $0x0;
	v13 =	vadd.s32 v19, v13;
	v12 =	vnsel vm1, $0x5F5E0FF, v12  }
0x25: {  	v17 =	vmov s15;
	v16 =	vmul.u32 $0x2711, v16;
	vm1 =	vlt.s32 v13, $0x5F5E0FF;
	[tilespmem:s13], [sflag:$0x1] =	stream.indirect_vreg.gather [hbm4b:s3+s2], $0x1, v10, vm0, $0xb8;
	[tilespmem:$0x180] =	vst v63  }
0x26: {  	s14 =	simm.s32 $0xB0;
	s16 =	sadd.s32 $0x120, s25;
	v15 =	vbroadcast v15, $0x0;
	v14 =	vadd.s32 v19, v14;
	v13 =	vnsel vm1, $0x5F5E0FF, v13  }
0x27: {  	v18 =	vmov s16;
	v17 =	vmul.u32 $0x2711, v17;
	vm1 =	vlt.s32 v14, $0x5F5E0FF;
	[tilespmem:s14], [sflag:$0x1] =	stream.indirect_vreg.gather [hbm4b:s3+s2], $0x1, v11, vm0, $0xb8;
	[tilespmem:$0x180] =	vst v63  }
0x28: {  	s17 =	sadd.s32 $0x130, s25;
	s15 =	simm.s32 $0xC0;
	v16 =	vbroadcast v16, $0x0;
	v15 =	vadd.s32 v19, v15;
	v14 =	vnsel vm1, $0x5F5E0FF, v14  }
0x29: {  	v20 =	vmov s17;
	v18 =	vmul.u32 $0x2711, v18;
	vm1 =	vlt.s32 v15, $0x5F5E0FF;
	[tilespmem:s15], [sflag:$0x1] =	stream.indirect_vreg.gather [hbm4b:s3+s2], $0x1, v12, vm0, $0xb8;
	[tilespmem:$0x180] =	vst v63  }
0x2a: {  	s16 =	simm.s32 $0xD0;
	v17 =	vbroadcast v17, $0x0;
	v16 =	vadd.s32 v19, v16;
	v15 =	vnsel vm1, $0x5F5E0FF, v15  }
0x2b: {  	v20 =	vmul.u32 $0x2711, v20;
	vm1 =	vlt.s32 v16, $0x5F5E0FF;
	[tilespmem:s16], [sflag:$0x1] =	stream.indirect_vreg.gather [hbm4b:s3+s2], $0x1, v13, vm0, $0xb8;
	[tilespmem:$0x180] =	vst v63  }
0x2c: {  	s17 =	simm.s32 $0xE0;
	v18 =	vbroadcast v18, $0x0;
	v17 =	vadd.s32 v19, v17;
	v16 =	vnsel vm1, $0x5F5E0FF, v16  }
0x2d: {  	vm1 =	vlt.s32 v17, $0x5F5E0FF;
	[tilespmem:s17], [sflag:$0x1] =	stream.indirect_vreg.gather [hbm4b:s3+s2], $0x1, v14, vm0, $0xb8;
	[tilespmem:$0x180] =	vst v63  }
0x2e: {  	s18 =	simm.s32 $0xF0;
	v20 =	vbroadcast v20, $0x0;
	v18 =	vadd.s32 v19, v18;
	v17 =	vnsel vm1, $0x5F5E0FF, v17  }
0x2f: {  	vm1 =	vlt.s32 v18, $0x5F5E0FF;
	[tilespmem:s18], [sflag:$0x1] =	stream.indirect_vreg.gather [hbm4b:s3+s2], $0x1, v15, vm0, $0xb8;
	[tilespmem:$0x180] =	vst v63  }
0x30: {  	s19 =	simm.s32 $0x100;
	v19 =	vadd.s32 v19, v20;
	v18 =	vnsel vm1, $0x5F5E0FF, v18  }
0x31: {  	vm1 =	vlt.s32 v19, $0x5F5E0FF;
	[tilespmem:s19], [sflag:$0x1] =	stream.indirect_vreg.gather [hbm4b:s3+s2], $0x1, v16, vm0, $0xb8;
	[tilespmem:$0x180] =	vst v63  }
0x32: {  	s20 =	simm.s32 $0x110;
	v19 =	vnsel vm1, $0x5F5E0FF, v19  }
0x33: {  	[tilespmem:s20], [sflag:$0x1] =	stream.indirect_vreg.gather [hbm4b:s3+s2], $0x1, v17, vm0, $0xb8;
	[tilespmem:$0x180] =	vst v63  }
0x34: {  	s21 =	simm.s32 $0x120  }
0x35: {  	[tilespmem:s21], [sflag:$0x1] =	stream.indirect_vreg.gather [hbm4b:s3+s2], $0x1, v18, vm0, $0xb8;
	[tilespmem:$0x180] =	vst v63  }
0x36: {  	s22 =	simm.s32 $0x130;
	s23 =	simm.s32 $0x1  }
0x37: {  	[tilespmem:s22], [sflag:$0x1] =	stream.indirect_vreg.gather [hbm4b:s3+s2], $0x1, v19, vm0, $0xb8;
	[tilespmem:$0x180] =	vst v63  }
0x38: {  	_ =	swait.ge [sflag:s23], $0x10  }
0x39: {  	[sflag:s23] =	ssyncset.done $0x0  }
0x3a: {  	[sflag:s23] =	ssyncadd.s32 $0xFFFFFFF0  }
0x3b: {  	_ =	swait.ge [sflag:s23], $0x10  }
0x3c: {  	[sflag:s23] =	ssyncset.done $0x0  }
0x3d: {  	[sflag:s23] =	ssyncadd.s32 $0xFFFFFFF0  }
0x3e: {  	_ =	swait.ge [sflag:s23], $0x10  }
0x3f: {  	[sflag:s23] =	ssyncset.done $0x0  }
0x40: {  	[sflag:s23] =	ssyncadd.s32 $0xFFFFFFF0  }
0x41: {  	_ =	swait.ge [sflag:s23], $0x10  }
0x42: {  	[sflag:s23] =	ssyncset.done $0x0  }
0x43: {  	[sflag:s23] =	ssyncadd.s32 $0xFFFFFFF0  }
0x44: {  	_ =	swait.ge [sflag:s23], $0x10  }
0x45: {  	[sflag:s23] =	ssyncset.done $0x0  }
0x46: {  	[sflag:s23] =	ssyncadd.s32 $0xFFFFFFF0  }
0x47: {  	_ =	swait.ge [sflag:s23], $0x10  }
0x48: {  	[sflag:s23] =	ssyncset.done $0x0  }
0x49: {  	[sflag:s23] =	ssyncadd.s32 $0xFFFFFFF0  }
0x4a: {  	_ =	swait.ge [sflag:s23], $0x10  }
0x4b: {  	[sflag:s23] =	ssyncset.done $0x0  }
0x4c: {  	[sflag:s23] =	ssyncadd.s32 $0xFFFFFFF0  }
0x4d: {  	_ =	swait.ge [sflag:s23], $0x10  }
0x4e: {  	[sflag:s23] =	ssyncset.done $0x0  }
0x4f: {  	[sflag:s23] =	ssyncadd.s32 $0xFFFFFFF0  }
0x50: {  	_ =	swait.ge [sflag:s23], $0x10  }
0x51: {  	[sflag:s23] =	ssyncset.done $0x0  }
0x52: {  	[sflag:s23] =	ssyncadd.s32 $0xFFFFFFF0  }
0x53: {  	_ =	swait.ge [sflag:s23], $0x10  }
0x54: {  	[sflag:s23] =	ssyncset.done $0x0  }
0x55: {  	[sflag:s23] =	ssyncadd.s32 $0xFFFFFFF0  }
0x56: {  	_ =	swait.ge [sflag:s23], $0x10  }
0x57: {  	[sflag:s23] =	ssyncset.done $0x0  }
0x58: {  	[sflag:s23] =	ssyncadd.s32 $0xFFFFFFF0  }
0x59: {  	_ =	swait.ge [sflag:s23], $0x10  }
0x5a: {  	[sflag:s23] =	ssyncset.done $0x0  }
0x5b: {  	[sflag:s23] =	ssyncadd.s32 $0xFFFFFFF0  }
0x5c: {  	_ =	swait.ge [sflag:s23], $0x10  }
0x5d: {  	[sflag:s23] =	ssyncset.done $0x0  }
0x5e: {  	[sflag:s23] =	ssyncadd.s32 $0xFFFFFFF0  }
0x5f: {  	_ =	swait.ge [sflag:s23], $0x10  }
0x60: {  	[sflag:s23] =	ssyncset.done $0x0  }
0x61: {  	[sflag:s23] =	ssyncadd.s32 $0xFFFFFFF0  }
0x62: {  	_ =	swait.ge [sflag:s23], $0x10  }
0x63: {  	[sflag:s23] =	ssyncset.done $0x0  }
0x64: {  	[sflag:s23] =	ssyncadd.s32 $0xFFFFFFF0  }
0x65: {  	_ =	swait.ge [sflag:s23], $0x10  }
0x66: {  	[sflag:s23] =	ssyncset.done $0x0  }
0x67: {  	[sflag:s23] =	ssyncadd.s32 $0xFFFFFFF0  }
0x68: {  	_ =	swait.ge [sflag:s23], $0x10  }
0x69: {  	[sflag:s23] =	ssyncset.done $0x0  }
0x6a: {  	[sflag:s23] =	ssyncadd.s32 $0xFFFFFFF0  }
0x6b: {  	_ =	swait.ge [sflag:s23], $0x10  }
0x6c: {  	[sflag:s23] =	ssyncset.done $0x0  }
0x6d: {  	s24 =	ssub.s32 $0x2, s24;
	[sflag:s23] =	ssyncadd.s32 $0xFFFFFFF0  }
0x6e: {  	s28 =	sshrl.u32 s24, $0x1;
	_ =	swait.ge [sflag:s23], $0x10  }
0x6f: {  	s28 =	ssub.s32 s24, s28;
	[sflag:s23] =	ssyncset.done $0x0  }
0x70: {  	s31 =	smax.u32 s28, $0x1;
	[sflag:s23] =	ssyncadd.s32 $0xFFFFFFF0  }
0x71: {  	p0 =	sne.s32 s31, $0x1;
	_ =	swait.ge [sflag:s23], $0x10  }
.Ltmp0:
0x72: {  	s25 =	sshrl.u32 s25, $0x3;
	[sflag:s23] =	ssyncset.done $0x0;
	(pc) =	sbr.rel @!p0 .LBB2_2-.Ltmp0, $4  }
0x73: {  	s24 =	sadd.s32 s26, s25;
	s25 =	simm.s32 $0x2;
	[sflag:s23] =	ssyncadd.s32 $0xFFFFFFF0  }
0x74: {  	[hbm4b:s24+s2] =	stream.linear.scatter [tilespmem:s2], [sflag:$0x2], $0x140, $0x38;
	[tilespmem:$0x180] =	vst v63  }
0x75: {  	_ =	swait.ge [sflag:s25], $0x140  }
0x76: {  	s26 =	sadd.s32 $0xFFFFFFFF, s31;
	[sflag:s25] =	ssyncset.done $0x0  }
.LBB2_1:
0x77: {  	p0 =	sne.s32 s26, $0x1;
	s26 =	sadd.s32 $0xFFFFFFFF, s26;
	[sflag:s25] =	ssyncadd.s32 $0xFFFFFEC0  }
0x78: {  	[tilespmem:s2], [sflag:$0x1] =	stream.indirect_vreg.gather [hbm4b:s3+s2], $0x1, v0, vm0, $0xb8;
	[tilespmem:$0x180] =	vst v63  }
0x79: {  	_ = 	snop  }
0x7a: {  	[tilespmem:s4], [sflag:$0x1] =	stream.indirect_vreg.gather [hbm4b:s3+s2], $0x1, v1, vm0, $0xb8;
	[tilespmem:$0x180] =	vst v63  }
0x7b: {  	_ = 	snop  }
0x7c: {  	[tilespmem:s5], [sflag:$0x1] =	stream.indirect_vreg.gather [hbm4b:s3+s2], $0x1, v2, vm0, $0xb8;
	[tilespmem:$0x180] =	vst v63  }
0x7d: {  	_ = 	snop  }
0x7e: {  	[tilespmem:s6], [sflag:$0x1] =	stream.indirect_vreg.gather [hbm4b:s3+s2], $0x1, v3, vm0, $0xb8;
	[tilespmem:$0x180] =	vst v63  }
0x7f: {  	_ = 	snop  }
0x80: {  	[tilespmem:s7], [sflag:$0x1] =	stream.indirect_vreg.gather [hbm4b:s3+s2], $0x1, v4, vm0, $0xb8;
	[tilespmem:$0x180] =	vst v63  }
0x81: {  	_ = 	snop  }
0x82: {  	[tilespmem:s8], [sflag:$0x1] =	stream.indirect_vreg.gather [hbm4b:s3+s2], $0x1, v5, vm0, $0xb8;
	[tilespmem:$0x180] =	vst v63  }
0x83: {  	_ = 	snop  }
0x84: {  	[tilespmem:s9], [sflag:$0x1] =	stream.indirect_vreg.gather [hbm4b:s3+s2], $0x1, v6, vm0, $0xb8;
	[tilespmem:$0x180] =	vst v63  }
0x85: {  	_ = 	snop  }
0x86: {  	[tilespmem:s10], [sflag:$0x1] =	stream.indirect_vreg.gather [hbm4b:s3+s2], $0x1, v7, vm0, $0xb8;
	[tilespmem:$0x180] =	vst v63  }
0x87: {  	_ = 	snop  }
0x88: {  	[tilespmem:s11], [sflag:$0x1] =	stream.indirect_vreg.gather [hbm4b:s3+s2], $0x1, v8, vm0, $0xb8;
	[tilespmem:$0x180] =	vst v63  }
0x89: {  	_ = 	snop  }
0x8a: {  	[tilespmem:s12], [sflag:$0x1] =	stream.indirect_vreg.gather [hbm4b:s3+s2], $0x1, v9, vm0, $0xb8;
	[tilespmem:$0x180] =	vst v63  }
0x8b: {  	_ = 	snop  }
0x8c: {  	[tilespmem:s13], [sflag:$0x1] =	stream.indirect_vreg.gather [hbm4b:s3+s2], $0x1, v10, vm0, $0xb8;
	[tilespmem:$0x180] =	vst v63  }
0x8d: {  	_ = 	snop  }
0x8e: {  	[tilespmem:s14], [sflag:$0x1] =	stream.indirect_vreg.gather [hbm4b:s3+s2], $0x1, v11, vm0, $0xb8;
	[tilespmem:$0x180] =	vst v63  }
0x8f: {  	_ = 	snop  }
0x90: {  	[tilespmem:s15], [sflag:$0x1] =	stream.indirect_vreg.gather [hbm4b:s3+s2], $0x1, v12, vm0, $0xb8;
	[tilespmem:$0x180] =	vst v63  }
0x91: {  	_ = 	snop  }
0x92: {  	[tilespmem:s16], [sflag:$0x1] =	stream.indirect_vreg.gather [hbm4b:s3+s2], $0x1, v13, vm0, $0xb8;
	[tilespmem:$0x180] =	vst v63  }
0x93: {  	_ = 	snop  }
0x94: {  	[tilespmem:s17], [sflag:$0x1] =	stream.indirect_vreg.gather [hbm4b:s3+s2], $0x1, v14, vm0, $0xb8;
	[tilespmem:$0x180] =	vst v63  }
0x95: {  	_ = 	snop  }
0x96: {  	[tilespmem:s18], [sflag:$0x1] =	stream.indirect_vreg.gather [hbm4b:s3+s2], $0x1, v15, vm0, $0xb8;
	[tilespmem:$0x180] =	vst v63  }
0x97: {  	_ = 	snop  }
0x98: {  	[tilespmem:s19], [sflag:$0x1] =	stream.indirect_vreg.gather [hbm4b:s3+s2], $0x1, v16, vm0, $0xb8;
	[tilespmem:$0x180] =	vst v63  }
0x99: {  	_ = 	snop  }
0x9a: {  	[tilespmem:s20], [sflag:$0x1] =	stream.indirect_vreg.gather [hbm4b:s3+s2], $0x1, v17, vm0, $0xb8;
	[tilespmem:$0x180] =	vst v63  }
0x9b: {  	_ = 	snop  }
0x9c: {  	[tilespmem:s21], [sflag:$0x1] =	stream.indirect_vreg.gather [hbm4b:s3+s2], $0x1, v18, vm0, $0xb8;
	[tilespmem:$0x180] =	vst v63  }
0x9d: {  	_ = 	snop  }
0x9e: {  	[tilespmem:s22], [sflag:$0x1] =	stream.indirect_vreg.gather [hbm4b:s3+s2], $0x1, v19, vm0, $0xb8;
	[tilespmem:$0x180] =	vst v63  }
0x9f: {  	_ =	swait.ge [sflag:s23], $0x10  }
0xa0: {  	[sflag:s23] =	ssyncset.done $0x0  }
0xa1: {  	[sflag:s23] =	ssyncadd.s32 $0xFFFFFFF0  }
0xa2: {  	_ =	swait.ge [sflag:s23], $0x10  }
0xa3: {  	[sflag:s23] =	ssyncset.done $0x0  }
0xa4: {  	[sflag:s23] =	ssyncadd.s32 $0xFFFFFFF0  }
0xa5: {  	_ =	swait.ge [sflag:s23], $0x10  }
0xa6: {  	[sflag:s23] =	ssyncset.done $0x0  }
0xa7: {  	[sflag:s23] =	ssyncadd.s32 $0xFFFFFFF0  }
0xa8: {  	_ =	swait.ge [sflag:s23], $0x10  }
0xa9: {  	[sflag:s23] =	ssyncset.done $0x0  }
0xaa: {  	[sflag:s23] =	ssyncadd.s32 $0xFFFFFFF0  }
0xab: {  	_ =	swait.ge [sflag:s23], $0x10  }
0xac: {  	[sflag:s23] =	ssyncset.done $0x0  }
0xad: {  	[sflag:s23] =	ssyncadd.s32 $0xFFFFFFF0  }
0xae: {  	_ =	swait.ge [sflag:s23], $0x10  }
0xaf: {  	[sflag:s23] =	ssyncset.done $0x0  }
0xb0: {  	[sflag:s23] =	ssyncadd.s32 $0xFFFFFFF0  }
0xb1: {  	_ =	swait.ge [sflag:s23], $0x10  }
0xb2: {  	[sflag:s23] =	ssyncset.done $0x0  }
0xb3: {  	[sflag:s23] =	ssyncadd.s32 $0xFFFFFFF0  }
0xb4: {  	_ =	swait.ge [sflag:s23], $0x10  }
0xb5: {  	[sflag:s23] =	ssyncset.done $0x0  }
0xb6: {  	[sflag:s23] =	ssyncadd.s32 $0xFFFFFFF0  }
0xb7: {  	_ =	swait.ge [sflag:s23], $0x10  }
0xb8: {  	[sflag:s23] =	ssyncset.done $0x0  }
0xb9: {  	[sflag:s23] =	ssyncadd.s32 $0xFFFFFFF0  }
0xba: {  	_ =	swait.ge [sflag:s23], $0x10  }
0xbb: {  	[sflag:s23] =	ssyncset.done $0x0  }
0xbc: {  	[sflag:s23] =	ssyncadd.s32 $0xFFFFFFF0  }
0xbd: {  	_ =	swait.ge [sflag:s23], $0x10  }
0xbe: {  	[sflag:s23] =	ssyncset.done $0x0  }
0xbf: {  	[sflag:s23] =	ssyncadd.s32 $0xFFFFFFF0  }
0xc0: {  	_ =	swait.ge [sflag:s23], $0x10  }
0xc1: {  	[sflag:s23] =	ssyncset.done $0x0  }
0xc2: {  	[sflag:s23] =	ssyncadd.s32 $0xFFFFFFF0  }
0xc3: {  	_ =	swait.ge [sflag:s23], $0x10  }
0xc4: {  	[sflag:s23] =	ssyncset.done $0x0  }
0xc5: {  	[sflag:s23] =	ssyncadd.s32 $0xFFFFFFF0  }
0xc6: {  	_ =	swait.ge [sflag:s23], $0x10  }
0xc7: {  	[sflag:s23] =	ssyncset.done $0x0  }
0xc8: {  	[sflag:s23] =	ssyncadd.s32 $0xFFFFFFF0  }
0xc9: {  	_ =	swait.ge [sflag:s23], $0x10  }
0xca: {  	[sflag:s23] =	ssyncset.done $0x0  }
0xcb: {  	[sflag:s23] =	ssyncadd.s32 $0xFFFFFFF0  }
0xcc: {  	_ =	swait.ge [sflag:s23], $0x10  }
0xcd: {  	[sflag:s23] =	ssyncset.done $0x0  }
0xce: {  	[sflag:s23] =	ssyncadd.s32 $0xFFFFFFF0  }
0xcf: {  	_ =	swait.ge [sflag:s23], $0x10  }
0xd0: {  	[sflag:s23] =	ssyncset.done $0x0  }
0xd1: {  	[sflag:s23] =	ssyncadd.s32 $0xFFFFFFF0  }
0xd2: {  	_ =	swait.ge [sflag:s23], $0x10  }
0xd3: {  	[sflag:s23] =	ssyncset.done $0x0  }
0xd4: {  	[sflag:s23] =	ssyncadd.s32 $0xFFFFFFF0  }
0xd5: {  	_ =	swait.ge [sflag:s23], $0x10  }
0xd6: {  	[sflag:s23] =	ssyncset.done $0x0  }
0xd7: {  	[sflag:s23] =	ssyncadd.s32 $0xFFFFFFF0  }
0xd8: {  	_ =	swait.ge [sflag:s23], $0x10  }
.Ltmp1:
0xd9: {  	[sflag:s23] =	ssyncset.done $0x0;
	(pc) =	sbr.rel @p0 .LBB2_1-.Ltmp1, $4  }
0xda: {  	[sflag:s23] =	ssyncadd.s32 $0xFFFFFFF0  }
0xdb: {  	[hbm4b:s24+s2] =	stream.linear.scatter [tilespmem:s2], [sflag:$0x2], $0x140, $0x38;
	[tilespmem:$0x180] =	vst v63  }
0xdc: {  	_ =	swait.ge [sflag:s25], $0x140  }
0xdd: {  	[sflag:s25] =	ssyncset.done $0x0  }
.LBB2_2:
0xde: {  	[sflag:s25] =	ssyncadd.s32 $0xFFFFFEC0  }
0xdf: {  	_ =	sfence.sel $0x180000  }
0xe0: {  	[bflag:$0x0] =	sbarrier.arrive $0xFFFF  }
0xe1: {  	p0 =	sne.s32 s0, $0x0;
	_ =	strace $0x90000047  }
0xe2: {  	s0 =	sadd.s32 @!p0 $0x100000, s1;
	[bflag:$0x2] =	sbarrier.arrive $0xFFFF  }
0xe3: {  	[sflag:s0] =	ssyncadd.tile.s32 @!p0 $0x1;
	_ =	shalt  }
.Lfunc_end2:
_tile_overlayer_lowered:
.L_overlay_start_2:
0xe4: {  	(tag) =	ssettag $0x2  }
0xe5: {  	s0 =	rddreg [dreg:$0x0];
	s2 =	stileid.u32  }
0xe6: {  	s1 =	rddreg [dreg:$0x1];
	p0 =	sne.s32 s2, $0x0  }
0xe7: {  	s3 =	rddreg [dreg:$0x2];
	[bflag:$0x3] =	sbarrier.arrive $0xFFFF;
	s2 =	simm.s32 @!p0 $0x1C02  }
0xe8: {  	[timem:s3], [sflag:s2] =	dma.local @!p0 [hbm:s0], s1  }
0xe9: {  	s0 =	simm.s32 @!p0 $0x2  }
0xea: {  	_ =	swait.ge @!p0 [sflag:s0], s1  }
0xeb: {  	s1 =	ssub.s32 @!p0 $0x0, s1;
	[sflag:s0] =	ssyncset.done @!p0 $0x0  }
0xec: {  	[sflag:s0] =	ssyncadd.s32 @!p0 s1  }
0xed: {  	[bflag:$0x3] =	sbarrier.arrive $0xFFFF  }
0xee: {  	_ =	shalt  }

</sc_bundles>
